<compile_context>
chip_gen: v7x
topology: tpu7x:2x2x1
jax: 0.10.2.dev20260603
libtpu: 0.0.44.dev20260713+nightly
codegen_flags: <defaults>
</compile_context>

<pallas_src>
import functools

import numpy as np
import jax
import jax.numpy as jnp
from jax import lax
from jax.experimental import pallas as pl
from jax.experimental.pallas import tpu as pltpu
from jax.experimental.pallas import tpu_sc as plsc

B, S = 1024, 200
ACTION_NUM, DEVICE_NUM, K = 1000, 50, 64
W = 96
S0 = S - W
NC, NS = 2, 16
NW = NC * NS
TB = B // NW
LANES = 16

CD, CT, CV, CA = 16, 16, 64, 1024

_shift = np.arange(S, dtype=np.float32) + np.float32(1.0) - np.float32(S)
_expw = np.exp(_shift).astype(np.float32)
_PW = (_expw / _expw.sum(dtype=np.float32)).astype(np.float32)
_SPW = float(_PW.sum(dtype=np.float32))
_PW_EXT = np.concatenate([_PW[S0:], _PW[S0:S0 + LANES]]).astype(np.float32)


def _sc_body(days_hbm, times_hbm, devs_hbm, acts_hbm, w_hbm,
             cd_hbm, ct_hbm, cv_hbm, ca_hbm,
             d_v, t_v, v_v, a_v, w_v, cd_v, ct_v, cv_v, ca_v):
    wid = lax.axis_index("s") * NC + lax.axis_index("c")
    base = wid * TB
    pltpu.sync_copy(days_hbm.at[pl.ds(base, TB)], d_v)
    pltpu.sync_copy(times_hbm.at[pl.ds(base, TB)], t_v)
    pltpu.sync_copy(devs_hbm.at[pl.ds(base, TB)], v_v)
    pltpu.sync_copy(acts_hbm.at[pl.ds(base, TB)], a_v)
    pltpu.sync_copy(w_hbm, w_v)

    zeros16 = jnp.zeros((LANES,), jnp.float32)
    for ref in (cd_v, ct_v, cv_v, ca_v):
        nc = ref.shape[1] // LANES

        def zbody(r, carry, ref=ref, nc=nc):
            for j in range(nc):
                ref[r, pl.ds(j * LANES, LANES)] = zeros16
            return carry

        lax.fori_loop(0, TB, zbody, 0)

    lane = lax.iota(jnp.int32, LANES)
    irefs = (d_v, t_v, v_v, a_v)
    crefs = (cd_v, ct_v, cv_v, ca_v)

    def sbody(s, carry):
        wsplat = w_v[pl.ds(s, LANES)]
        off = s + lane
        col = jnp.where(off >= W, off - W, off)
        for g in range(TB // LANES):
            rows = lane + (g * LANES)
            for t in range(4):
                idxv = plsc.load_gather(irefs[t], [rows, col])
                plsc.addupdate_scatter(crefs[t], [rows, idxv], wsplat)
        return carry

    lax.fori_loop(0, W, sbody, 0, unroll=2)

    pltpu.sync_copy(cd_v, cd_hbm.at[pl.ds(base, TB)])
    pltpu.sync_copy(ct_v, ct_hbm.at[pl.ds(base, TB)])
    pltpu.sync_copy(cv_v, cv_hbm.at[pl.ds(base, TB)])
    pltpu.sync_copy(ca_v, ca_hbm.at[pl.ds(base, TB)])


_sc_histogram = functools.partial(
    pl.kernel,
    mesh=plsc.VectorSubcoreMesh(core_axis_name="c", subcore_axis_name="s"),
    compiler_params=pltpu.CompilerParams(needs_layout_passes=False),
    out_type=[
        jax.ShapeDtypeStruct((B, CD), jnp.float32),
        jax.ShapeDtypeStruct((B, CT), jnp.float32),
        jax.ShapeDtypeStruct((B, CV), jnp.float32),
        jax.ShapeDtypeStruct((B, CA), jnp.float32),
    ],
    scratch_types=[
        pltpu.VMEM((TB, W), jnp.int32),
        pltpu.VMEM((TB, W), jnp.int32),
        pltpu.VMEM((TB, W), jnp.int32),
        pltpu.VMEM((TB, W), jnp.int32),
        pltpu.VMEM((W + LANES,), jnp.float32),
        pltpu.VMEM((TB, CD), jnp.float32),
        pltpu.VMEM((TB, CT), jnp.float32),
        pltpu.VMEM((TB, CV), jnp.float32),
        pltpu.VMEM((TB, CA), jnp.float32),
    ],
)(_sc_body)


BB = 256


def _dot(a, b):
    return lax.dot_general(a, b, (((1,), (0,)), ((), ())),
                           preferred_element_type=jnp.float32)


def _tc_body(ca, cd, ct, cv, last2,
             dayt, timet, devt, actt, wft, bfr,
             litab, ldtab, iltt, wd2at, woutkt, aux, out):
    wsum_d = _dot(cd[...][:, :8], dayt[...])
    wsum_t = _dot(ct[...][:, :9], timet[...])
    wsum_v = _dot(cv[...][:, :DEVICE_NUM + 1], devt[...])
    wsum_a = _dot(ca[...][:, :ACTION_NUM + 1], actt[...])
    wft_ = wft[...]
    fused = (_dot(wsum_d, wft_[0:K]) + _dot(wsum_t, wft_[K:2 * K])
             + _dot(wsum_v, wft_[2 * K:3 * K]) + _dot(wsum_a, wft_[3 * K:4 * K]))
    seqk = fused * (1.0 / S) + bfr[...]
    last_ = last2[...]
    oh_a = (lax.broadcasted_iota(jnp.int32, (BB, ACTION_NUM + 1), 1)
            == last_[:, 0:1]).astype(jnp.float32)
    oh_d = (lax.broadcasted_iota(jnp.int32, (BB, DEVICE_NUM + 1), 1)
            == last_[:, 1:2]).astype(jnp.float32)
    li = _dot(oh_a, litab[...])
    ld = _dot(oh_d, ldtab[...])
    aux_ = aux[...]
    at = _dot(li, iltt[...])
    dt = _dot(ld, wd2at[...]) + aux_[0:1]
    atm = jnp.sum(at, axis=1, keepdims=True) * (1.0 / ACTION_NUM)
    dtm = jnp.sum(dt, axis=1, keepdims=True) * (1.0 / ACTION_NUM)
    out[...] = (at + dt + _dot(seqk, woutkt[...])
                + atm * aux_[1:2] + dtm * aux_[2:3] + aux_[3:4])


def kernel(days, times, devices, actions, masks, day_table, time_table,
           device_table, action_table, IL_table, LI_table, LD_table,
           Wf, bf, Wout, bout, Wd2a, bd2a):
    f32 = jnp.float32
    A = ACTION_NUM
    cd, ct, cv, ca = _sc_histogram(days[:, S0:], times[:, S0:],
                                   devices[:, S0:], actions[:, S0:],
                                   jnp.asarray(_PW_EXT))

    last2 = jnp.stack([actions[:, S - 1], devices[:, S - 1]], 1)
    wft = Wf.T
    bfr = (bf * (_SPW / S)).reshape(1, K)
    iltt = IL_table[1:].T
    wd2at = Wd2a.T
    woutkt = Wout[:, :K].T
    aux = jnp.stack([bd2a, Wout[:, K], Wout[:, K + 1], bout])

    return pl.pallas_call(
        _tc_body,
        grid=(B // BB,),
        in_specs=[
            pl.BlockSpec((BB, CA), lambda i: (i, 0)),
            pl.BlockSpec((BB, CD), lambda i: (i, 0)),
            pl.BlockSpec((BB, CT), lambda i: (i, 0)),
            pl.BlockSpec((BB, CV), lambda i: (i, 0)),
            pl.BlockSpec((BB, 2), lambda i: (i, 0)),
            pl.BlockSpec((8, K), lambda i: (0, 0)),
            pl.BlockSpec((9, K), lambda i: (0, 0)),
            pl.BlockSpec((DEVICE_NUM + 1, K), lambda i: (0, 0)),
            pl.BlockSpec((A + 1, K), lambda i: (0, 0)),
            pl.BlockSpec((4 * K, K), lambda i: (0, 0)),
            pl.BlockSpec((1, K), lambda i: (0, 0)),
            pl.BlockSpec((A + 1, K), lambda i: (0, 0)),
            pl.BlockSpec((DEVICE_NUM + 1, K), lambda i: (0, 0)),
            pl.BlockSpec((K, A), lambda i: (0, 0)),
            pl.BlockSpec((K, A), lambda i: (0, 0)),
            pl.BlockSpec((K, A), lambda i: (0, 0)),
            pl.BlockSpec((4, A), lambda i: (0, 0)),
        ],
        out_specs=pl.BlockSpec((BB, A), lambda i: (i, 0)),
        out_shape=jax.ShapeDtypeStruct((B, A), f32),
    )(ca, cd, ct, cv, last2,
      day_table, time_table, device_table, action_table, wft, bfr,
      LI_table, LD_table, iltt, wd2at, woutkt, aux)

# --- scband reference (transcript-rebuilt; emitter-appended) ---
"""Pipeline reference for scband-fpmc-28750511079473 (READ-ONLY COPY).

The authoritative reference and input builder live on the scoring server;
editing this copy changes nothing except your own understanding.
"""

import jax, jax.numpy as jnp
import numpy as np

B, S = 1024, 200
ACTION_NUM, DEVICE_NUM, K = 1000, 50, 64


def setup_inputs(seed: int = 0) -> dict:
    key = jax.random.key(seed)
    ks = jax.random.split(key, 20)
    days = jax.random.randint(ks[0], (B, S), 0, 8, dtype=jnp.int32)
    times = jax.random.randint(ks[1], (B, S), 0, 9, dtype=jnp.int32)
    devices = jax.random.randint(ks[2], (B, S), 0, DEVICE_NUM + 1, dtype=jnp.int32)
    actions = jax.random.randint(ks[3], (B, S), 0, ACTION_NUM + 1, dtype=jnp.int32)
    masks = jnp.ones((B, S), dtype=jnp.float32)
    sc = 0.02
    day_table = jax.random.normal(ks[4], (8, K), jnp.float32) * sc
    time_table = jax.random.normal(ks[5], (9, K), jnp.float32) * sc
    device_table = (jax.random.normal(ks[6], (DEVICE_NUM + 1, K), jnp.float32) * sc).at[0].set(0.0)
    action_table = (jax.random.normal(ks[7], (ACTION_NUM + 1, K), jnp.float32) * sc).at[0].set(0.0)
    IL_table = (jax.random.normal(ks[8], (ACTION_NUM + 1, K), jnp.float32) * sc).at[0].set(0.0)
    LI_table = (jax.random.normal(ks[9], (ACTION_NUM + 1, K), jnp.float32) * sc).at[0].set(0.0)
    LD_table = (jax.random.normal(ks[10], (DEVICE_NUM + 1, K), jnp.float32) * sc).at[0].set(0.0)
    Wf = jax.random.normal(ks[11], (K, 4 * K), jnp.float32) * sc
    bf = jnp.zeros((K,), jnp.float32)
    Wout = jax.random.normal(ks[12], (ACTION_NUM, K + 2), jnp.float32) * sc
    bout = jnp.zeros((ACTION_NUM,), jnp.float32)
    Wd2a = jax.random.normal(ks[13], (ACTION_NUM, K), jnp.float32) * sc
    bd2a = jnp.zeros((ACTION_NUM,), jnp.float32)
    return {"days": days, "times": times, "devices": devices, "actions": actions,
            "masks": masks, "day_table": day_table, "time_table": time_table,
            "device_table": device_table, "action_table": action_table,
            "IL_table": IL_table, "LI_table": LI_table, "LD_table": LD_table,
            "Wf": Wf, "bf": bf, "Wout": Wout, "bout": bout, "Wd2a": Wd2a, "bd2a": bd2a}


def reference(days, times, devices, actions, masks, day_table, time_table,
              device_table, action_table, IL_table, LI_table, LD_table,
              Wf, bf, Wout, bout, Wd2a, bd2a):
    b, s = actions.shape
    de = day_table[days]
    te = time_table[times]
    ve = device_table[devices]
    ae = action_table[actions]
    combined = jnp.concatenate([de, te, ve, ae], axis=-1)
    fused = combined @ Wf.T + bf  # dropout in eval mode = identity
    # sequence representation with stable per-row softmax over valid prefix
    lengths = jnp.sum(masks, axis=1).astype(jnp.int32)  # [B]
    pos = jnp.arange(s)
    valid = pos[None, :] < lengths[:, None]
    shifted = (pos[None, :] + 1).astype(jnp.float32) - lengths[:, None].astype(jnp.float32)
    expw = jnp.where(valid, jnp.exp(shifted), 0.0)
    denom = jnp.sum(expw, axis=1, keepdims=True)
    pw = jnp.where(denom > 0, expw / jnp.maximum(denom, 1e-12), 0.0)
    sequence_repr = fused * pw[:, :, None] * masks[:, :, None]
    # last valid items
    idx = jnp.clip(lengths - 1, 0, s - 1)
    rows = jnp.arange(b)
    last_actions = jnp.where(lengths > 0, actions[rows, idx], 0)
    last_devices = jnp.where(lengths > 0, devices[rows, idx], 0)
    # action transition scores
    all_actions = jnp.arange(1, ACTION_NUM + 1)
    last_action_emb = LI_table[last_actions][:, None, :]          # [B,1,K]
    next_action_emb = IL_table[all_actions][None, :, :]           # [1,A,K]
    action_transition = jnp.sum(last_action_emb * next_action_emb, axis=-1)  # [B,A]
    # device transition scores
    device_transition = LD_table[last_devices] @ Wd2a.T + bd2a    # [B,A]
    at_mean = jnp.mean(action_transition, axis=1, keepdims=True)  # [B,1]
    dt_mean = jnp.mean(device_transition, axis=1, keepdims=True)  # [B,1]
    at_exp = jnp.broadcast_to(at_mean[:, :, None], (b, s, 1))
    dt_exp = jnp.broadcast_to(dt_mean[:, :, None], (b, s, 1))
    combined_repr = jnp.concatenate([sequence_repr, at_exp, dt_exp], axis=-1)
    sequence_averaged = jnp.mean(combined_repr, axis=1)           # [B,K+2]
    output = action_transition + device_transition + (sequence_averaged @ Wout.T + bout)
    return output

if __name__ == "__main__":
    import jax
    _d = setup_inputs()
    print(jax.jit(kernel)(*tuple(_d.values())))

</pallas_src>

<mosaic_0001>
#map = affine_map<(d0, d1) -> (0, 0)>
#map1 = affine_map<(d0, d1) -> (0)>
module attributes {stable_mosaic.version = 14 : i64} {
  func.func @_sc_body(%arg0: i32, %arg1: i32, %arg2: memref<1024x96xi32, #tpu.memory_space<hbm>>, %arg3: memref<1024x96xi32, #tpu.memory_space<hbm>>, %arg4: memref<1024x96xi32, #tpu.memory_space<hbm>>, %arg5: memref<1024x96xi32, #tpu.memory_space<hbm>>, %arg6: memref<112xf32, #tpu.memory_space<hbm>>, %arg7: memref<1024x16xf32, #tpu.memory_space<hbm>>, %arg8: memref<1024x16xf32, #tpu.memory_space<hbm>>, %arg9: memref<1024x64xf32, #tpu.memory_space<hbm>>, %arg10: memref<1024x1024xf32, #tpu.memory_space<hbm>>, %arg11: memref<32x96xi32, #tpu.memory_space<vmem>>, %arg12: memref<32x96xi32, #tpu.memory_space<vmem>>, %arg13: memref<32x96xi32, #tpu.memory_space<vmem>>, %arg14: memref<32x96xi32, #tpu.memory_space<vmem>>, %arg15: memref<112xf32, #tpu.memory_space<vmem>>, %arg16: memref<32x16xf32, #tpu.memory_space<vmem>>, %arg17: memref<32x16xf32, #tpu.memory_space<vmem>>, %arg18: memref<32x64xf32, #tpu.memory_space<vmem>>, %arg19: memref<32x1024xf32, #tpu.memory_space<vmem>>) attributes {dimension_semantics = [#tpu.dimension_semantics<core_parallel>, #tpu.dimension_semantics<subcore_parallel>], iteration_bounds = array<i64: 2, 16>, scalar_prefetch = 0 : i64, scratch_operands = 9 : i64, tpu.core_type = #tpu.core_type<sc_vector_subcore>, window_params = [{transform_indices = #map}, {transform_indices = #map}, {transform_indices = #map}, {transform_indices = #map}, {transform_indices = #map1}, {transform_indices = #map}, {transform_indices = #map}, {transform_indices = #map}, {transform_indices = #map}]} {
    %mul3A = arith.constant 2 : i32
    %mul3A_0 = arith.muli %arg1, %mul3A : i32
    %add3A = arith.addi %mul3A_0, %arg0 : i32
    %mul3A_1 = arith.constant 32 : i32
    %mul3A_2 = arith.muli %add3A, %mul3A_1 : i32
    "tpu.region"() ({
      %run_scoped3A = tpu.sem_alloc : memref<!tpu.dma_semaphore, #tpu.memory_space<semaphore_mem>>
      %dma_start3A = arith.constant 0 : i32
      %dma_start3A_33 = tpu.memref_slice %arg2[%mul3A_2, %dma_start3A] : memref<1024x96xi32, #tpu.memory_space<hbm>> -> memref<32x96xi32, #tpu.memory_space<hbm>>
      %dma_start3A_34 = arith.constant 0 : i32
      %dma_start3A_35 = tpu.memref_slice %arg2[%mul3A_2, %dma_start3A_34] : memref<1024x96xi32, #tpu.memory_space<hbm>> -> memref<32x96xi32, #tpu.memory_space<hbm>>
      tpu.enqueue_dma source(%dma_start3A_35 : memref<32x96xi32, #tpu.memory_space<hbm>>) target(%arg11 : memref<32x96xi32, #tpu.memory_space<vmem>>) target_semaphore(%run_scoped3A : memref<!tpu.dma_semaphore, #tpu.memory_space<semaphore_mem>>)
      %dma_wait3A = arith.constant 0 : i32
      %dma_wait3A_36 = tpu.memref_slice %arg2[%mul3A_2, %dma_wait3A] : memref<1024x96xi32, #tpu.memory_space<hbm>> -> memref<32x96xi32, #tpu.memory_space<hbm>>
      %dma_wait3A_37 = arith.constant 0 : i32
      %dma_wait3A_38 = tpu.memref_slice %arg2[%mul3A_2, %dma_wait3A_37] : memref<1024x96xi32, #tpu.memory_space<hbm>> -> memref<32x96xi32, #tpu.memory_space<hbm>>
      tpu.wait_dma2 semaphore(%run_scoped3A : memref<!tpu.dma_semaphore, #tpu.memory_space<semaphore_mem>>) src(%dma_wait3A_38 : memref<32x96xi32, #tpu.memory_space<hbm>>) dst(%arg11 : memref<32x96xi32, #tpu.memory_space<vmem>>)
      tpu.yield
    }) : () -> ()
    "tpu.region"() ({
      %run_scoped3A = tpu.sem_alloc : memref<!tpu.dma_semaphore, #tpu.memory_space<semaphore_mem>>
      %dma_start3A = arith.constant 0 : i32
      %dma_start3A_33 = tpu.memref_slice %arg3[%mul3A_2, %dma_start3A] : memref<1024x96xi32, #tpu.memory_space<hbm>> -> memref<32x96xi32, #tpu.memory_space<hbm>>
      %dma_start3A_34 = arith.constant 0 : i32
      %dma_start3A_35 = tpu.memref_slice %arg3[%mul3A_2, %dma_start3A_34] : memref<1024x96xi32, #tpu.memory_space<hbm>> -> memref<32x96xi32, #tpu.memory_space<hbm>>
      tpu.enqueue_dma source(%dma_start3A_35 : memref<32x96xi32, #tpu.memory_space<hbm>>) target(%arg12 : memref<32x96xi32, #tpu.memory_space<vmem>>) target_semaphore(%run_scoped3A : memref<!tpu.dma_semaphore, #tpu.memory_space<semaphore_mem>>)
      %dma_wait3A = arith.constant 0 : i32
      %dma_wait3A_36 = tpu.memref_slice %arg3[%mul3A_2, %dma_wait3A] : memref<1024x96xi32, #tpu.memory_space<hbm>> -> memref<32x96xi32, #tpu.memory_space<hbm>>
      %dma_wait3A_37 = arith.constant 0 : i32
      %dma_wait3A_38 = tpu.memref_slice %arg3[%mul3A_2, %dma_wait3A_37] : memref<1024x96xi32, #tpu.memory_space<hbm>> -> memref<32x96xi32, #tpu.memory_space<hbm>>
      tpu.wait_dma2 semaphore(%run_scoped3A : memref<!tpu.dma_semaphore, #tpu.memory_space<semaphore_mem>>) src(%dma_wait3A_38 : memref<32x96xi32, #tpu.memory_space<hbm>>) dst(%arg12 : memref<32x96xi32, #tpu.memory_space<vmem>>)
      tpu.yield
    }) : () -> ()
    "tpu.region"() ({
      %run_scoped3A = tpu.sem_alloc : memref<!tpu.dma_semaphore, #tpu.memory_space<semaphore_mem>>
      %dma_start3A = arith.constant 0 : i32
      %dma_start3A_33 = tpu.memref_slice %arg4[%mul3A_2, %dma_start3A] : memref<1024x96xi32, #tpu.memory_space<hbm>> -> memref<32x96xi32, #tpu.memory_space<hbm>>
      %dma_start3A_34 = arith.constant 0 : i32
      %dma_start3A_35 = tpu.memref_slice %arg4[%mul3A_2, %dma_start3A_34] : memref<1024x96xi32, #tpu.memory_space<hbm>> -> memref<32x96xi32, #tpu.memory_space<hbm>>
      tpu.enqueue_dma source(%dma_start3A_35 : memref<32x96xi32, #tpu.memory_space<hbm>>) target(%arg13 : memref<32x96xi32, #tpu.memory_space<vmem>>) target_semaphore(%run_scoped3A : memref<!tpu.dma_semaphore, #tpu.memory_space<semaphore_mem>>)
      %dma_wait3A = arith.constant 0 : i32
      %dma_wait3A_36 = tpu.memref_slice %arg4[%mul3A_2, %dma_wait3A] : memref<1024x96xi32, #tpu.memory_space<hbm>> -> memref<32x96xi32, #tpu.memory_space<hbm>>
      %dma_wait3A_37 = arith.constant 0 : i32
      %dma_wait3A_38 = tpu.memref_slice %arg4[%mul3A_2, %dma_wait3A_37] : memref<1024x96xi32, #tpu.memory_space<hbm>> -> memref<32x96xi32, #tpu.memory_space<hbm>>
      tpu.wait_dma2 semaphore(%run_scoped3A : memref<!tpu.dma_semaphore, #tpu.memory_space<semaphore_mem>>) src(%dma_wait3A_38 : memref<32x96xi32, #tpu.memory_space<hbm>>) dst(%arg13 : memref<32x96xi32, #tpu.memory_space<vmem>>)
      tpu.yield
    }) : () -> ()
    "tpu.region"() ({
      %run_scoped3A = tpu.sem_alloc : memref<!tpu.dma_semaphore, #tpu.memory_space<semaphore_mem>>
      %dma_start3A = arith.constant 0 : i32
      %dma_start3A_33 = tpu.memref_slice %arg5[%mul3A_2, %dma_start3A] : memref<1024x96xi32, #tpu.memory_space<hbm>> -> memref<32x96xi32, #tpu.memory_space<hbm>>
      %dma_start3A_34 = arith.constant 0 : i32
      %dma_start3A_35 = tpu.memref_slice %arg5[%mul3A_2, %dma_start3A_34] : memref<1024x96xi32, #tpu.memory_space<hbm>> -> memref<32x96xi32, #tpu.memory_space<hbm>>
      tpu.enqueue_dma source(%dma_start3A_35 : memref<32x96xi32, #tpu.memory_space<hbm>>) target(%arg14 : memref<32x96xi32, #tpu.memory_space<vmem>>) target_semaphore(%run_scoped3A : memref<!tpu.dma_semaphore, #tpu.memory_space<semaphore_mem>>)
      %dma_wait3A = arith.constant 0 : i32
      %dma_wait3A_36 = tpu.memref_slice %arg5[%mul3A_2, %dma_wait3A] : memref<1024x96xi32, #tpu.memory_space<hbm>> -> memref<32x96xi32, #tpu.memory_space<hbm>>
      %dma_wait3A_37 = arith.constant 0 : i32
      %dma_wait3A_38 = tpu.memref_slice %arg5[%mul3A_2, %dma_wait3A_37] : memref<1024x96xi32, #tpu.memory_space<hbm>> -> memref<32x96xi32, #tpu.memory_space<hbm>>
      tpu.wait_dma2 semaphore(%run_scoped3A : memref<!tpu.dma_semaphore, #tpu.memory_space<semaphore_mem>>) src(%dma_wait3A_38 : memref<32x96xi32, #tpu.memory_space<hbm>>) dst(%arg14 : memref<32x96xi32, #tpu.memory_space<vmem>>)
      tpu.yield
    }) : () -> ()
    "tpu.region"() ({
      %run_scoped3A = tpu.sem_alloc : memref<!tpu.dma_semaphore, #tpu.memory_space<semaphore_mem>>
      tpu.enqueue_dma source(%arg6 : memref<112xf32, #tpu.memory_space<hbm>>) target(%arg15 : memref<112xf32, #tpu.memory_space<vmem>>) target_semaphore(%run_scoped3A : memref<!tpu.dma_semaphore, #tpu.memory_space<semaphore_mem>>)
      tpu.wait_dma2 semaphore(%run_scoped3A : memref<!tpu.dma_semaphore, #tpu.memory_space<semaphore_mem>>) src(%arg6 : memref<112xf32, #tpu.memory_space<hbm>>) dst(%arg15 : memref<112xf32, #tpu.memory_space<vmem>>)
      tpu.yield
    }) : () -> ()
    %broadcast_in_dim3A = arith.constant 0.000000e+00 : f32
    %broadcast_in_dim3A_3 = vector.broadcast %broadcast_in_dim3A : f32 to vector<16xf32>
    %scan3A = arith.constant 0 : i32
    %scan3A_4 = arith.constant 0 : i32
    %scan3A_5 = arith.constant 32 : i32
    %scan3A_6 = arith.addi %scan3A_4, %scan3A_5 : i32
    %scan3A_7 = arith.constant 1 : i32
    scf.for %scan3A_33 = %scan3A_4 to %scan3A_6 step %scan3A_7  : i32 {
      %swap3A = arith.index_cast %scan3A_33 : i32 to index
      %swap3A_34 = arith.constant 0 : index
      %swap3A_35 = tpu.vector_load %arg16[%swap3A, %swap3A_34] {strides = array<i32>} : memref<32x16xf32, #tpu.memory_space<vmem>>, vector<16xf32>,
      tpu.vector_store %arg16[%swap3A, %swap3A_34], %broadcast_in_dim3A_3 {strides = array<i32>} : memref<32x16xf32, #tpu.memory_space<vmem>>, vector<16xf32>,
    }
    %scan3A_8 = arith.constant 32 : i32
    %scan3A_9 = arith.constant 0 : i32
    %scan3A_10 = arith.constant 0 : i32
    %scan3A_11 = arith.constant 32 : i32
    %scan3A_12 = arith.addi %scan3A_10, %scan3A_11 : i32
    %scan3A_13 = arith.constant 1 : i32
    scf.for %scan3A_33 = %scan3A_10 to %scan3A_12 step %scan3A_13  : i32 {
      %swap3A = arith.index_cast %scan3A_33 : i32 to index
      %swap3A_34 = arith.constant 0 : index
      %swap3A_35 = tpu.vector_load %arg17[%swap3A, %swap3A_34] {strides = array<i32>} : memref<32x16xf32, #tpu.memory_space<vmem>>, vector<16xf32>,
      tpu.vector_store %arg17[%swap3A, %swap3A_34], %broadcast_in_dim3A_3 {strides = array<i32>} : memref<32x16xf32, #tpu.memory_space<vmem>>, vector<16xf32>,
    }
    %scan3A_14 = arith.constant 32 : i32
    %scan3A_15 = arith.constant 0 : i32
    %scan3A_16 = arith.constant 0 : i32
    %scan3A_17 = arith.constant 32 : i32
    %scan3A_18 = arith.addi %scan3A_16, %scan3A_17 : i32
    %scan3A_19 = arith.constant 1 : i32
    scf.for %scan3A_33 = %scan3A_16 to %scan3A_18 step %scan3A_19  : i32 {
      %swap3A = arith.index_cast %scan3A_33 : i32 to index
      %swap3A_34 = arith.constant 0 : index
      %swap3A_35 = tpu.vector_load %arg18[%swap3A, %swap3A_34] {strides = array<i32>} : memref<32x64xf32, #tpu.memory_space<vmem>>, vector<16xf32>,
      tpu.vector_store %arg18[%swap3A, %swap3A_34], %broadcast_in_dim3A_3 {strides = array<i32>} : memref<32x64xf32, #tpu.memory_space<vmem>>, vector<16xf32>,
      %swap3A_36 = arith.index_cast %scan3A_33 : i32 to index
      %swap3A_37 = arith.constant 16 : index
      %swap3A_38 = tpu.vector_load %arg18[%swap3A_36, %swap3A_37] {strides = array<i32>} : memref<32x64xf32, #tpu.memory_space<vmem>>, vector<16xf32>,
      tpu.vector_store %arg18[%swap3A_36, %swap3A_37], %broadcast_in_dim3A_3 {strides = array<i32>} : memref<32x64xf32, #tpu.memory_space<vmem>>, vector<16xf32>,
      %swap3A_39 = arith.index_cast %scan3A_33 : i32 to index
      %swap3A_40 = arith.constant 32 : index
      %swap3A_41 = tpu.vector_load %arg18[%swap3A_39, %swap3A_40] {strides = array<i32>} : memref<32x64xf32, #tpu.memory_space<vmem>>, vector<16xf32>,
      tpu.vector_store %arg18[%swap3A_39, %swap3A_40], %broadcast_in_dim3A_3 {strides = array<i32>} : memref<32x64xf32, #tpu.memory_space<vmem>>, vector<16xf32>,
      %swap3A_42 = arith.index_cast %scan3A_33 : i32 to index
      %swap3A_43 = arith.constant 48 : index
      %swap3A_44 = tpu.vector_load %arg18[%swap3A_42, %swap3A_43] {strides = array<i32>} : memref<32x64xf32, #tpu.memory_space<vmem>>, vector<16xf32>,
      tpu.vector_store %arg18[%swap3A_42, %swap3A_43], %broadcast_in_dim3A_3 {strides = array<i32>} : memref<32x64xf32, #tpu.memory_space<vmem>>, vector<16xf32>,
    }
    %scan3A_20 = arith.constant 32 : i32
    %scan3A_21 = arith.constant 0 : i32
    %scan3A_22 = arith.constant 0 : i32
    %scan3A_23 = arith.constant 32 : i32
    %scan3A_24 = arith.addi %scan3A_22, %scan3A_23 : i32
    %scan3A_25 = arith.constant 1 : i32
    scf.for %scan3A_33 = %scan3A_22 to %scan3A_24 step %scan3A_25  : i32 {
      %swap3A = arith.index_cast %scan3A_33 : i32 to index
      %swap3A_34 = arith.constant 0 : index
      %swap3A_35 = tpu.vector_load %arg19[%swap3A, %swap3A_34] {strides = array<i32>} : memref<32x1024xf32, #tpu.memory_space<vmem>>, vector<16xf32>,
      tpu.vector_store %arg19[%swap3A, %swap3A_34], %broadcast_in_dim3A_3 {strides = array<i32>} : memref<32x1024xf32, #tpu.memory_space<vmem>>, vector<16xf32>,
      %swap3A_36 = arith.index_cast %scan3A_33 : i32 to index
      %swap3A_37 = arith.constant 16 : index
      %swap3A_38 = tpu.vector_load %arg19[%swap3A_36, %swap3A_37] {strides = array<i32>} : memref<32x1024xf32, #tpu.memory_space<vmem>>, vector<16xf32>,
      tpu.vector_store %arg19[%swap3A_36, %swap3A_37], %broadcast_in_dim3A_3 {strides = array<i32>} : memref<32x1024xf32, #tpu.memory_space<vmem>>, vector<16xf32>,
      %swap3A_39 = arith.index_cast %scan3A_33 : i32 to index
      %swap3A_40 = arith.constant 32 : index
      %swap3A_41 = tpu.vector_load %arg19[%swap3A_39, %swap3A_40] {strides = array<i32>} : memref<32x1024xf32, #tpu.memory_space<vmem>>, vector<16xf32>,
      tpu.vector_store %arg19[%swap3A_39, %swap3A_40], %broadcast_in_dim3A_3 {strides = array<i32>} : memref<32x1024xf32, #tpu.memory_space<vmem>>, vector<16xf32>,
      %swap3A_42 = arith.index_cast %scan3A_33 : i32 to index
      %swap3A_43 = arith.constant 48 : index
      %swap3A_44 = tpu.vector_load %arg19[%swap3A_42, %swap3A_43] {strides = array<i32>} : memref<32x1024xf32, #tpu.memory_space<vmem>>, vector<16xf32>,
      tpu.vector_store %arg19[%swap3A_42, %swap3A_43], %broadcast_in_dim3A_3 {strides = array<i32>} : memref<32x1024xf32, #tpu.memory_space<vmem>>, vector<16xf32>,
      %swap3A_45 = arith.index_cast %scan3A_33 : i32 to index
      %swap3A_46 = arith.constant 64 : index
      %swap3A_47 = tpu.vector_load %arg19[%swap3A_45, %swap3A_46] {strides = array<i32>} : memref<32x1024xf32, #tpu.memory_space<vmem>>, vector<16xf32>,
      tpu.vector_store %arg19[%swap3A_45, %swap3A_46], %broadcast_in_dim3A_3 {strides = array<i32>} : memref<32x1024xf32, #tpu.memory_space<vmem>>, vector<16xf32>,
      %swap3A_48 = arith.index_cast %scan3A_33 : i32 to index
      %swap3A_49 = arith.constant 80 : index
      %swap3A_50 = tpu.vector_load %arg19[%swap3A_48, %swap3A_49] {strides = array<i32>} : memref<32x1024xf32, #tpu.memory_space<vmem>>, vector<16xf32>,
      tpu.vector_store %arg19[%swap3A_48, %swap3A_49], %broadcast_in_dim3A_3 {strides = array<i32>} : memref<32x1024xf32, #tpu.memory_space<vmem>>, vector<16xf32>,
      %swap3A_51 = arith.index_cast %scan3A_33 : i32 to index
      %swap3A_52 = arith.constant 96 : index
      %swap3A_53 = tpu.vector_load %arg19[%swap3A_51, %swap3A_52] {strides = array<i32>} : memref<32x1024xf32, #tpu.memory_space<vmem>>, vector<16xf32>,
      tpu.vector_store %arg19[%swap3A_51, %swap3A_52], %broadcast_in_dim3A_3 {strides = array<i32>} : memref<32x1024xf32, #tpu.memory_space<vmem>>, vector<16xf32>,
      %swap3A_54 = arith.index_cast %scan3A_33 : i32 to index
      %swap3A_55 = arith.constant 112 : index
      %swap3A_56 = tpu.vector_load %arg19[%swap3A_54, %swap3A_55] {strides = array<i32>} : memref<32x1024xf32, #tpu.memory_space<vmem>>, vector<16xf32>,
      tpu.vector_store %arg19[%swap3A_54, %swap3A_55], %broadcast_in_dim3A_3 {strides = array<i32>} : memref<32x1024xf32, #tpu.memory_space<vmem>>, vector<16xf32>,
      %swap3A_57 = arith.index_cast %scan3A_33 : i32 to index
      %swap3A_58 = arith.constant 128 : index
      %swap3A_59 = tpu.vector_load %arg19[%swap3A_57, %swap3A_58] {strides = array<i32>} : memref<32x1024xf32, #tpu.memory_space<vmem>>, vector<16xf32>,
      tpu.vector_store %arg19[%swap3A_57, %swap3A_58], %broadcast_in_dim3A_3 {strides = array<i32>} : memref<32x1024xf32, #tpu.memory_space<vmem>>, vector<16xf32>,
      %swap3A_60 = arith.index_cast %scan3A_33 : i32 to index
      %swap3A_61 = arith.constant 144 : index
      %swap3A_62 = tpu.vector_load %arg19[%swap3A_60, %swap3A_61] {strides = array<i32>} : memref<32x1024xf32, #tpu.memory_space<vmem>>, vector<16xf32>,
      tpu.vector_store %arg19[%swap3A_60, %swap3A_61], %broadcast_in_dim3A_3 {strides = array<i32>} : memref<32x1024xf32, #tpu.memory_space<vmem>>, vector<16xf32>,
      %swap3A_63 = arith.index_cast %scan3A_33 : i32 to index
      %swap3A_64 = arith.constant 160 : index
      %swap3A_65 = tpu.vector_load %arg19[%swap3A_63, %swap3A_64] {strides = array<i32>} : memref<32x1024xf32, #tpu.memory_space<vmem>>, vector<16xf32>,
      tpu.vector_store %arg19[%swap3A_63, %swap3A_64], %broadcast_in_dim3A_3 {strides = array<i32>} : memref<32x1024xf32, #tpu.memory_space<vmem>>, vector<16xf32>,
      %swap3A_66 = arith.index_cast %scan3A_33 : i32 to index
      %swap3A_67 = arith.constant 176 : index
      %swap3A_68 = tpu.vector_load %arg19[%swap3A_66, %swap3A_67] {strides = array<i32>} : memref<32x1024xf32, #tpu.memory_space<vmem>>, vector<16xf32>,
      tpu.vector_store %arg19[%swap3A_66, %swap3A_67], %broadcast_in_dim3A_3 {strides = array<i32>} : memref<32x1024xf32, #tpu.memory_space<vmem>>, vector<16xf32>,
      %swap3A_69 = arith.index_cast %scan3A_33 : i32 to index
      %swap3A_70 = arith.constant 192 : index
      %swap3A_71 = tpu.vector_load %arg19[%swap3A_69, %swap3A_70] {strides = array<i32>} : memref<32x1024xf32, #tpu.memory_space<vmem>>, vector<16xf32>,
      tpu.vector_store %arg19[%swap3A_69, %swap3A_70], %broadcast_in_dim3A_3 {strides = array<i32>} : memref<32x1024xf32, #tpu.memory_space<vmem>>, vector<16xf32>,
      %swap3A_72 = arith.index_cast %scan3A_33 : i32 to index
      %swap3A_73 = arith.constant 208 : index
      %swap3A_74 = tpu.vector_load %arg19[%swap3A_72, %swap3A_73] {strides = array<i32>} : memref<32x1024xf32, #tpu.memory_space<vmem>>, vector<16xf32>,
      tpu.vector_store %arg19[%swap3A_72, %swap3A_73], %broadcast_in_dim3A_3 {strides = array<i32>} : memref<32x1024xf32, #tpu.memory_space<vmem>>, vector<16xf32>,
      %swap3A_75 = arith.index_cast %scan3A_33 : i32 to index
      %swap3A_76 = arith.constant 224 : index
      %swap3A_77 = tpu.vector_load %arg19[%swap3A_75, %swap3A_76] {strides = array<i32>} : memref<32x1024xf32, #tpu.memory_space<vmem>>, vector<16xf32>,
      tpu.vector_store %arg19[%swap3A_75, %swap3A_76], %broadcast_in_dim3A_3 {strides = array<i32>} : memref<32x1024xf32, #tpu.memory_space<vmem>>, vector<16xf32>,
      %swap3A_78 = arith.index_cast %scan3A_33 : i32 to index
      %swap3A_79 = arith.constant 240 : index
      %swap3A_80 = tpu.vector_load %arg19[%swap3A_78, %swap3A_79] {strides = array<i32>} : memref<32x1024xf32, #tpu.memory_space<vmem>>, vector<16xf32>,
      tpu.vector_store %arg19[%swap3A_78, %swap3A_79], %broadcast_in_dim3A_3 {strides = array<i32>} : memref<32x1024xf32, #tpu.memory_space<vmem>>, vector<16xf32>,
      %swap3A_81 = arith.index_cast %scan3A_33 : i32 to index
      %swap3A_82 = arith.constant 256 : index
      %swap3A_83 = tpu.vector_load %arg19[%swap3A_81, %swap3A_82] {strides = array<i32>} : memref<32x1024xf32, #tpu.memory_space<vmem>>, vector<16xf32>,
      tpu.vector_store %arg19[%swap3A_81, %swap3A_82], %broadcast_in_dim3A_3 {strides = array<i32>} : memref<32x1024xf32, #tpu.memory_space<vmem>>, vector<16xf32>,
      %swap3A_84 = arith.index_cast %scan3A_33 : i32 to index
      %swap3A_85 = arith.constant 272 : index
      %swap3A_86 = tpu.vector_load %arg19[%swap3A_84, %swap3A_85] {strides = array<i32>} : memref<32x1024xf32, #tpu.memory_space<vmem>>, vector<16xf32>,
      tpu.vector_store %arg19[%swap3A_84, %swap3A_85], %broadcast_in_dim3A_3 {strides = array<i32>} : memref<32x1024xf32, #tpu.memory_space<vmem>>, vector<16xf32>,
      %swap3A_87 = arith.index_cast %scan3A_33 : i32 to index
      %swap3A_88 = arith.constant 288 : index
      %swap3A_89 = tpu.vector_load %arg19[%swap3A_87, %swap3A_88] {strides = array<i32>} : memref<32x1024xf32, #tpu.memory_space<vmem>>, vector<16xf32>,
      tpu.vector_store %arg19[%swap3A_87, %swap3A_88], %broadcast_in_dim3A_3 {strides = array<i32>} : memref<32x1024xf32, #tpu.memory_space<vmem>>, vector<16xf32>,
      %swap3A_90 = arith.index_cast %scan3A_33 : i32 to index
      %swap3A_91 = arith.constant 304 : index
      %swap3A_92 = tpu.vector_load %arg19[%swap3A_90, %swap3A_91] {strides = array<i32>} : memref<32x1024xf32, #tpu.memory_space<vmem>>, vector<16xf32>,
      tpu.vector_store %arg19[%swap3A_90, %swap3A_91], %broadcast_in_dim3A_3 {strides = array<i32>} : memref<32x1024xf32, #tpu.memory_space<vmem>>, vector<16xf32>,
      %swap3A_93 = arith.index_cast %scan3A_33 : i32 to index
      %swap3A_94 = arith.constant 320 : index
      %swap3A_95 = tpu.vector_load %arg19[%swap3A_93, %swap3A_94] {strides = array<i32>} : memref<32x1024xf32, #tpu.memory_space<vmem>>, vector<16xf32>,
      tpu.vector_store %arg19[%swap3A_93, %swap3A_94], %broadcast_in_dim3A_3 {strides = array<i32>} : memref<32x1024xf32, #tpu.memory_space<vmem>>, vector<16xf32>,
      %swap3A_96 = arith.index_cast %scan3A_33 : i32 to index
      %swap3A_97 = arith.constant 336 : index
      %swap3A_98 = tpu.vector_load %arg19[%swap3A_96, %swap3A_97] {strides = array<i32>} : memref<32x1024xf32, #tpu.memory_space<vmem>>, vector<16xf32>,
      tpu.vector_store %arg19[%swap3A_96, %swap3A_97], %broadcast_in_dim3A_3 {strides = array<i32>} : memref<32x1024xf32, #tpu.memory_space<vmem>>, vector<16xf32>,
      %swap3A_99 = arith.index_cast %scan3A_33 : i32 to index
      %swap3A_100 = arith.constant 352 : index
      %swap3A_101 = tpu.vector_load %arg19[%swap3A_99, %swap3A_100] {strides = array<i32>} : memref<32x1024xf32, #tpu.memory_space<vmem>>, vector<16xf32>,
      tpu.vector_store %arg19[%swap3A_99, %swap3A_100], %broadcast_in_dim3A_3 {strides = array<i32>} : memref<32x1024xf32, #tpu.memory_space<vmem>>, vector<16xf32>,
      %swap3A_102 = arith.index_cast %scan3A_33 : i32 to index
      %swap3A_103 = arith.constant 368 : index
      %swap3A_104 = tpu.vector_load %arg19[%swap3A_102, %swap3A_103] {strides = array<i32>} : memref<32x1024xf32, #tpu.memory_space<vmem>>, vector<16xf32>,
      tpu.vector_store %arg19[%swap3A_102, %swap3A_103], %broadcast_in_dim3A_3 {strides = array<i32>} : memref<32x1024xf32, #tpu.memory_space<vmem>>, vector<16xf32>,
      %swap3A_105 = arith.index_cast %scan3A_33 : i32 to index
      %swap3A_106 = arith.constant 384 : index
      %swap3A_107 = tpu.vector_load %arg19[%swap3A_105, %swap3A_106] {strides = array<i32>} : memref<32x1024xf32, #tpu.memory_space<vmem>>, vector<16xf32>,
      tpu.vector_store %arg19[%swap3A_105, %swap3A_106], %broadcast_in_dim3A_3 {strides = array<i32>} : memref<32x1024xf32, #tpu.memory_space<vmem>>, vector<16xf32>,
      %swap3A_108 = arith.index_cast %scan3A_33 : i32 to index
      %swap3A_109 = arith.constant 400 : index
      %swap3A_110 = tpu.vector_load %arg19[%swap3A_108, %swap3A_109] {strides = array<i32>} : memref<32x1024xf32, #tpu.memory_space<vmem>>, vector<16xf32>,
      tpu.vector_store %arg19[%swap3A_108, %swap3A_109], %broadcast_in_dim3A_3 {strides = array<i32>} : memref<32x1024xf32, #tpu.memory_space<vmem>>, vector<16xf32>,
      %swap3A_111 = arith.index_cast %scan3A_33 : i32 to index
      %swap3A_112 = arith.constant 416 : index
      %swap3A_113 = tpu.vector_load %arg19[%swap3A_111, %swap3A_112] {strides = array<i32>} : memref<32x1024xf32, #tpu.memory_space<vmem>>, vector<16xf32>,
      tpu.vector_store %arg19[%swap3A_111, %swap3A_112], %broadcast_in_dim3A_3 {strides = array<i32>} : memref<32x1024xf32, #tpu.memory_space<vmem>>, vector<16xf32>,
      %swap3A_114 = arith.index_cast %scan3A_33 : i32 to index
      %swap3A_115 = arith.constant 432 : index
      %swap3A_116 = tpu.vector_load %arg19[%swap3A_114, %swap3A_115] {strides = array<i32>} : memref<32x1024xf32, #tpu.memory_space<vmem>>, vector<16xf32>,
      tpu.vector_store %arg19[%swap3A_114, %swap3A_115], %broadcast_in_dim3A_3 {strides = array<i32>} : memref<32x1024xf32, #tpu.memory_space<vmem>>, vector<16xf32>,
      %swap3A_117 = arith.index_cast %scan3A_33 : i32 to index
      %swap3A_118 = arith.constant 448 : index
      %swap3A_119 = tpu.vector_load %arg19[%swap3A_117, %swap3A_118] {strides = array<i32>} : memref<32x1024xf32, #tpu.memory_space<vmem>>, vector<16xf32>,
      tpu.vector_store %arg19[%swap3A_117, %swap3A_118], %broadcast_in_dim3A_3 {strides = array<i32>} : memref<32x1024xf32, #tpu.memory_space<vmem>>, vector<16xf32>,
      %swap3A_120 = arith.index_cast %scan3A_33 : i32 to index
      %swap3A_121 = arith.constant 464 : index
      %swap3A_122 = tpu.vector_load %arg19[%swap3A_120, %swap3A_121] {strides = array<i32>} : memref<32x1024xf32, #tpu.memory_space<vmem>>, vector<16xf32>,
      tpu.vector_store %arg19[%swap3A_120, %swap3A_121], %broadcast_in_dim3A_3 {strides = array<i32>} : memref<32x1024xf32, #tpu.memory_space<vmem>>, vector<16xf32>,
      %swap3A_123 = arith.index_cast %scan3A_33 : i32 to index
      %swap3A_124 = arith.constant 480 : index
      %swap3A_125 = tpu.vector_load %arg19[%swap3A_123, %swap3A_124] {strides = array<i32>} : memref<32x1024xf32, #tpu.memory_space<vmem>>, vector<16xf32>,
      tpu.vector_store %arg19[%swap3A_123, %swap3A_124], %broadcast_in_dim3A_3 {strides = array<i32>} : memref<32x1024xf32, #tpu.memory_space<vmem>>, vector<16xf32>,
      %swap3A_126 = arith.index_cast %scan3A_33 : i32 to index
      %swap3A_127 = arith.constant 496 : index
      %swap3A_128 = tpu.vector_load %arg19[%swap3A_126, %swap3A_127] {strides = array<i32>} : memref<32x1024xf32, #tpu.memory_space<vmem>>, vector<16xf32>,
      tpu.vector_store %arg19[%swap3A_126, %swap3A_127], %broadcast_in_dim3A_3 {strides = array<i32>} : memref<32x1024xf32, #tpu.memory_space<vmem>>, vector<16xf32>,
      %swap3A_129 = arith.index_cast %scan3A_33 : i32 to index
      %swap3A_130 = arith.constant 512 : index
      %swap3A_131 = tpu.vector_load %arg19[%swap3A_129, %swap3A_130] {strides = array<i32>} : memref<32x1024xf32, #tpu.memory_space<vmem>>, vector<16xf32>,
      tpu.vector_store %arg19[%swap3A_129, %swap3A_130], %broadcast_in_dim3A_3 {strides = array<i32>} : memref<32x1024xf32, #tpu.memory_space<vmem>>, vector<16xf32>,
      %swap3A_132 = arith.index_cast %scan3A_33 : i32 to index
      %swap3A_133 = arith.constant 528 : index
      %swap3A_134 = tpu.vector_load %arg19[%swap3A_132, %swap3A_133] {strides = array<i32>} : memref<32x1024xf32, #tpu.memory_space<vmem>>, vector<16xf32>,
      tpu.vector_store %arg19[%swap3A_132, %swap3A_133], %broadcast_in_dim3A_3 {strides = array<i32>} : memref<32x1024xf32, #tpu.memory_space<vmem>>, vector<16xf32>,
      %swap3A_135 = arith.index_cast %scan3A_33 : i32 to index
      %swap3A_136 = arith.constant 544 : index
      %swap3A_137 = tpu.vector_load %arg19[%swap3A_135, %swap3A_136] {strides = array<i32>} : memref<32x1024xf32, #tpu.memory_space<vmem>>, vector<16xf32>,
      tpu.vector_store %arg19[%swap3A_135, %swap3A_136], %broadcast_in_dim3A_3 {strides = array<i32>} : memref<32x1024xf32, #tpu.memory_space<vmem>>, vector<16xf32>,
      %swap3A_138 = arith.index_cast %scan3A_33 : i32 to index
      %swap3A_139 = arith.constant 560 : index
      %swap3A_140 = tpu.vector_load %arg19[%swap3A_138, %swap3A_139] {strides = array<i32>} : memref<32x1024xf32, #tpu.memory_space<vmem>>, vector<16xf32>,
      tpu.vector_store %arg19[%swap3A_138, %swap3A_139], %broadcast_in_dim3A_3 {strides = array<i32>} : memref<32x1024xf32, #tpu.memory_space<vmem>>, vector<16xf32>,
      %swap3A_141 = arith.index_cast %scan3A_33 : i32 to index
      %swap3A_142 = arith.constant 576 : index
      %swap3A_143 = tpu.vector_load %arg19[%swap3A_141, %swap3A_142] {strides = array<i32>} : memref<32x1024xf32, #tpu.memory_space<vmem>>, vector<16xf32>,
      tpu.vector_store %arg19[%swap3A_141, %swap3A_142], %broadcast_in_dim3A_3 {strides = array<i32>} : memref<32x1024xf32, #tpu.memory_space<vmem>>, vector<16xf32>,
      %swap3A_144 = arith.index_cast %scan3A_33 : i32 to index
      %swap3A_145 = arith.constant 592 : index
      %swap3A_146 = tpu.vector_load %arg19[%swap3A_144, %swap3A_145] {strides = array<i32>} : memref<32x1024xf32, #tpu.memory_space<vmem>>, vector<16xf32>,
      tpu.vector_store %arg19[%swap3A_144, %swap3A_145], %broadcast_in_dim3A_3 {strides = array<i32>} : memref<32x1024xf32, #tpu.memory_space<vmem>>, vector<16xf32>,
      %swap3A_147 = arith.index_cast %scan3A_33 : i32 to index
      %swap3A_148 = arith.constant 608 : index
      %swap3A_149 = tpu.vector_load %arg19[%swap3A_147, %swap3A_148] {strides = array<i32>} : memref<32x1024xf32, #tpu.memory_space<vmem>>, vector<16xf32>,
      tpu.vector_store %arg19[%swap3A_147, %swap3A_148], %broadcast_in_dim3A_3 {strides = array<i32>} : memref<32x1024xf32, #tpu.memory_space<vmem>>, vector<16xf32>,
      %swap3A_150 = arith.index_cast %scan3A_33 : i32 to index
      %swap3A_151 = arith.constant 624 : index
      %swap3A_152 = tpu.vector_load %arg19[%swap3A_150, %swap3A_151] {strides = array<i32>} : memref<32x1024xf32, #tpu.memory_space<vmem>>, vector<16xf32>,
      tpu.vector_store %arg19[%swap3A_150, %swap3A_151], %broadcast_in_dim3A_3 {strides = array<i32>} : memref<32x1024xf32, #tpu.memory_space<vmem>>, vector<16xf32>,
      %swap3A_153 = arith.index_cast %scan3A_33 : i32 to index
      %swap3A_154 = arith.constant 640 : index
      %swap3A_155 = tpu.vector_load %arg19[%swap3A_153, %swap3A_154] {strides = array<i32>} : memref<32x1024xf32, #tpu.memory_space<vmem>>, vector<16xf32>,
      tpu.vector_store %arg19[%swap3A_153, %swap3A_154], %broadcast_in_dim3A_3 {strides = array<i32>} : memref<32x1024xf32, #tpu.memory_space<vmem>>, vector<16xf32>,
      %swap3A_156 = arith.index_cast %scan3A_33 : i32 to index
      %swap3A_157 = arith.constant 656 : index
      %swap3A_158 = tpu.vector_load %arg19[%swap3A_156, %swap3A_157] {strides = array<i32>} : memref<32x1024xf32, #tpu.memory_space<vmem>>, vector<16xf32>,
      tpu.vector_store %arg19[%swap3A_156, %swap3A_157], %broadcast_in_dim3A_3 {strides = array<i32>} : memref<32x1024xf32, #tpu.memory_space<vmem>>, vector<16xf32>,
      %swap3A_159 = arith.index_cast %scan3A_33 : i32 to index
      %swap3A_160 = arith.constant 672 : index
      %swap3A_161 = tpu.vector_load %arg19[%swap3A_159, %swap3A_160] {strides = array<i32>} : memref<32x1024xf32, #tpu.memory_space<vmem>>, vector<16xf32>,
      tpu.vector_store %arg19[%swap3A_159, %swap3A_160], %broadcast_in_dim3A_3 {strides = array<i32>} : memref<32x1024xf32, #tpu.memory_space<vmem>>, vector<16xf32>,
      %swap3A_162 = arith.index_cast %scan3A_33 : i32 to index
      %swap3A_163 = arith.constant 688 : index
      %swap3A_164 = tpu.vector_load %arg19[%swap3A_162, %swap3A_163] {strides = array<i32>} : memref<32x1024xf32, #tpu.memory_space<vmem>>, vector<16xf32>,
      tpu.vector_store %arg19[%swap3A_162, %swap3A_163], %broadcast_in_dim3A_3 {strides = array<i32>} : memref<32x1024xf32, #tpu.memory_space<vmem>>, vector<16xf32>,
      %swap3A_165 = arith.index_cast %scan3A_33 : i32 to index
      %swap3A_166 = arith.constant 704 : index
      %swap3A_167 = tpu.vector_load %arg19[%swap3A_165, %swap3A_166] {strides = array<i32>} : memref<32x1024xf32, #tpu.memory_space<vmem>>, vector<16xf32>,
      tpu.vector_store %arg19[%swap3A_165, %swap3A_166], %broadcast_in_dim3A_3 {strides = array<i32>} : memref<32x1024xf32, #tpu.memory_space<vmem>>, vector<16xf32>,
      %swap3A_168 = arith.index_cast %scan3A_33 : i32 to index
      %swap3A_169 = arith.constant 720 : index
      %swap3A_170 = tpu.vector_load %arg19[%swap3A_168, %swap3A_169] {strides = array<i32>} : memref<32x1024xf32, #tpu.memory_space<vmem>>, vector<16xf32>,
      tpu.vector_store %arg19[%swap3A_168, %swap3A_169], %broadcast_in_dim3A_3 {strides = array<i32>} : memref<32x1024xf32, #tpu.memory_space<vmem>>, vector<16xf32>,
      %swap3A_171 = arith.index_cast %scan3A_33 : i32 to index
      %swap3A_172 = arith.constant 736 : index
      %swap3A_173 = tpu.vector_load %arg19[%swap3A_171, %swap3A_172] {strides = array<i32>} : memref<32x1024xf32, #tpu.memory_space<vmem>>, vector<16xf32>,
      tpu.vector_store %arg19[%swap3A_171, %swap3A_172], %broadcast_in_dim3A_3 {strides = array<i32>} : memref<32x1024xf32, #tpu.memory_space<vmem>>, vector<16xf32>,
      %swap3A_174 = arith.index_cast %scan3A_33 : i32 to index
      %swap3A_175 = arith.constant 752 : index
      %swap3A_176 = tpu.vector_load %arg19[%swap3A_174, %swap3A_175] {strides = array<i32>} : memref<32x1024xf32, #tpu.memory_space<vmem>>, vector<16xf32>,
      tpu.vector_store %arg19[%swap3A_174, %swap3A_175], %broadcast_in_dim3A_3 {strides = array<i32>} : memref<32x1024xf32, #tpu.memory_space<vmem>>, vector<16xf32>,
      %swap3A_177 = arith.index_cast %scan3A_33 : i32 to index
      %swap3A_178 = arith.constant 768 : index
      %swap3A_179 = tpu.vector_load %arg19[%swap3A_177, %swap3A_178] {strides = array<i32>} : memref<32x1024xf32, #tpu.memory_space<vmem>>, vector<16xf32>,
      tpu.vector_store %arg19[%swap3A_177, %swap3A_178], %broadcast_in_dim3A_3 {strides = array<i32>} : memref<32x1024xf32, #tpu.memory_space<vmem>>, vector<16xf32>,
      %swap3A_180 = arith.index_cast %scan3A_33 : i32 to index
      %swap3A_181 = arith.constant 784 : index
      %swap3A_182 = tpu.vector_load %arg19[%swap3A_180, %swap3A_181] {strides = array<i32>} : memref<32x1024xf32, #tpu.memory_space<vmem>>, vector<16xf32>,
      tpu.vector_store %arg19[%swap3A_180, %swap3A_181], %broadcast_in_dim3A_3 {strides = array<i32>} : memref<32x1024xf32, #tpu.memory_space<vmem>>, vector<16xf32>,
      %swap3A_183 = arith.index_cast %scan3A_33 : i32 to index
      %swap3A_184 = arith.constant 800 : index
      %swap3A_185 = tpu.vector_load %arg19[%swap3A_183, %swap3A_184] {strides = array<i32>} : memref<32x1024xf32, #tpu.memory_space<vmem>>, vector<16xf32>,
      tpu.vector_store %arg19[%swap3A_183, %swap3A_184], %broadcast_in_dim3A_3 {strides = array<i32>} : memref<32x1024xf32, #tpu.memory_space<vmem>>, vector<16xf32>,
      %swap3A_186 = arith.index_cast %scan3A_33 : i32 to index
      %swap3A_187 = arith.constant 816 : index
      %swap3A_188 = tpu.vector_load %arg19[%swap3A_186, %swap3A_187] {strides = array<i32>} : memref<32x1024xf32, #tpu.memory_space<vmem>>, vector<16xf32>,
      tpu.vector_store %arg19[%swap3A_186, %swap3A_187], %broadcast_in_dim3A_3 {strides = array<i32>} : memref<32x1024xf32, #tpu.memory_space<vmem>>, vector<16xf32>,
      %swap3A_189 = arith.index_cast %scan3A_33 : i32 to index
      %swap3A_190 = arith.constant 832 : index
      %swap3A_191 = tpu.vector_load %arg19[%swap3A_189, %swap3A_190] {strides = array<i32>} : memref<32x1024xf32, #tpu.memory_space<vmem>>, vector<16xf32>,
      tpu.vector_store %arg19[%swap3A_189, %swap3A_190], %broadcast_in_dim3A_3 {strides = array<i32>} : memref<32x1024xf32, #tpu.memory_space<vmem>>, vector<16xf32>,
      %swap3A_192 = arith.index_cast %scan3A_33 : i32 to index
      %swap3A_193 = arith.constant 848 : index
      %swap3A_194 = tpu.vector_load %arg19[%swap3A_192, %swap3A_193] {strides = array<i32>} : memref<32x1024xf32, #tpu.memory_space<vmem>>, vector<16xf32>,
      tpu.vector_store %arg19[%swap3A_192, %swap3A_193], %broadcast_in_dim3A_3 {strides = array<i32>} : memref<32x1024xf32, #tpu.memory_space<vmem>>, vector<16xf32>,
      %swap3A_195 = arith.index_cast %scan3A_33 : i32 to index
      %swap3A_196 = arith.constant 864 : index
      %swap3A_197 = tpu.vector_load %arg19[%swap3A_195, %swap3A_196] {strides = array<i32>} : memref<32x1024xf32, #tpu.memory_space<vmem>>, vector<16xf32>,
      tpu.vector_store %arg19[%swap3A_195, %swap3A_196], %broadcast_in_dim3A_3 {strides = array<i32>} : memref<32x1024xf32, #tpu.memory_space<vmem>>, vector<16xf32>,
      %swap3A_198 = arith.index_cast %scan3A_33 : i32 to index
      %swap3A_199 = arith.constant 880 : index
      %swap3A_200 = tpu.vector_load %arg19[%swap3A_198, %swap3A_199] {strides = array<i32>} : memref<32x1024xf32, #tpu.memory_space<vmem>>, vector<16xf32>,
      tpu.vector_store %arg19[%swap3A_198, %swap3A_199], %broadcast_in_dim3A_3 {strides = array<i32>} : memref<32x1024xf32, #tpu.memory_space<vmem>>, vector<16xf32>,
      %swap3A_201 = arith.index_cast %scan3A_33 : i32 to index
      %swap3A_202 = arith.constant 896 : index
      %swap3A_203 = tpu.vector_load %arg19[%swap3A_201, %swap3A_202] {strides = array<i32>} : memref<32x1024xf32, #tpu.memory_space<vmem>>, vector<16xf32>,
      tpu.vector_store %arg19[%swap3A_201, %swap3A_202], %broadcast_in_dim3A_3 {strides = array<i32>} : memref<32x1024xf32, #tpu.memory_space<vmem>>, vector<16xf32>,
      %swap3A_204 = arith.index_cast %scan3A_33 : i32 to index
      %swap3A_205 = arith.constant 912 : index
      %swap3A_206 = tpu.vector_load %arg19[%swap3A_204, %swap3A_205] {strides = array<i32>} : memref<32x1024xf32, #tpu.memory_space<vmem>>, vector<16xf32>,
      tpu.vector_store %arg19[%swap3A_204, %swap3A_205], %broadcast_in_dim3A_3 {strides = array<i32>} : memref<32x1024xf32, #tpu.memory_space<vmem>>, vector<16xf32>,
      %swap3A_207 = arith.index_cast %scan3A_33 : i32 to index
      %swap3A_208 = arith.constant 928 : index
      %swap3A_209 = tpu.vector_load %arg19[%swap3A_207, %swap3A_208] {strides = array<i32>} : memref<32x1024xf32, #tpu.memory_space<vmem>>, vector<16xf32>,
      tpu.vector_store %arg19[%swap3A_207, %swap3A_208], %broadcast_in_dim3A_3 {strides = array<i32>} : memref<32x1024xf32, #tpu.memory_space<vmem>>, vector<16xf32>,
      %swap3A_210 = arith.index_cast %scan3A_33 : i32 to index
      %swap3A_211 = arith.constant 944 : index
      %swap3A_212 = tpu.vector_load %arg19[%swap3A_210, %swap3A_211] {strides = array<i32>} : memref<32x1024xf32, #tpu.memory_space<vmem>>, vector<16xf32>,
      tpu.vector_store %arg19[%swap3A_210, %swap3A_211], %broadcast_in_dim3A_3 {strides = array<i32>} : memref<32x1024xf32, #tpu.memory_space<vmem>>, vector<16xf32>,
      %swap3A_213 = arith.index_cast %scan3A_33 : i32 to index
      %swap3A_214 = arith.constant 960 : index
      %swap3A_215 = tpu.vector_load %arg19[%swap3A_213, %swap3A_214] {strides = array<i32>} : memref<32x1024xf32, #tpu.memory_space<vmem>>, vector<16xf32>,
      tpu.vector_store %arg19[%swap3A_213, %swap3A_214], %broadcast_in_dim3A_3 {strides = array<i32>} : memref<32x1024xf32, #tpu.memory_space<vmem>>, vector<16xf32>,
      %swap3A_216 = arith.index_cast %scan3A_33 : i32 to index
      %swap3A_217 = arith.constant 976 : index
      %swap3A_218 = tpu.vector_load %arg19[%swap3A_216, %swap3A_217] {strides = array<i32>} : memref<32x1024xf32, #tpu.memory_space<vmem>>, vector<16xf32>,
      tpu.vector_store %arg19[%swap3A_216, %swap3A_217], %broadcast_in_dim3A_3 {strides = array<i32>} : memref<32x1024xf32, #tpu.memory_space<vmem>>, vector<16xf32>,
      %swap3A_219 = arith.index_cast %scan3A_33 : i32 to index
      %swap3A_220 = arith.constant 992 : index
      %swap3A_221 = tpu.vector_load %arg19[%swap3A_219, %swap3A_220] {strides = array<i32>} : memref<32x1024xf32, #tpu.memory_space<vmem>>, vector<16xf32>,
      tpu.vector_store %arg19[%swap3A_219, %swap3A_220], %broadcast_in_dim3A_3 {strides = array<i32>} : memref<32x1024xf32, #tpu.memory_space<vmem>>, vector<16xf32>,
      %swap3A_222 = arith.index_cast %scan3A_33 : i32 to index
      %swap3A_223 = arith.constant 1008 : index
      %swap3A_224 = tpu.vector_load %arg19[%swap3A_222, %swap3A_223] {strides = array<i32>} : memref<32x1024xf32, #tpu.memory_space<vmem>>, vector<16xf32>,
      tpu.vector_store %arg19[%swap3A_222, %swap3A_223], %broadcast_in_dim3A_3 {strides = array<i32>} : memref<32x1024xf32, #tpu.memory_space<vmem>>, vector<16xf32>,
    }
    %scan3A_26 = arith.constant 32 : i32
    %iota3A = tpu.iota {dimensions = array<i32: 0>} : vector<16xi32>
    %scan3A_27 = arith.constant 0 : i32
    %scan3A_28 = arith.constant 0 : i32
    %scan3A_29 = arith.constant 96 : i32
    %scan3A_30 = arith.addi %scan3A_28, %scan3A_29 : i32
    %scan3A_31 = arith.constant 2 : i32
    scf.for %scan3A_33 = %scan3A_28 to %scan3A_30 step %scan3A_31  : i32 {
      %get3A = arith.index_cast %scan3A_33 : i32 to index
      %get3A_34 = tpu.vector_load %arg15[%get3A] {strides = array<i32>} : memref<112xf32, #tpu.memory_space<vmem>>, vector<16xf32>,
      %add3A_35 = vector.broadcast %scan3A_33 : i32 to vector<16xi32>
      %add3A_36 = arith.addi %add3A_35, %iota3A : vector<16xi32>
      %ge3A = arith.constant 96 : i32
      %ge3A_37 = vector.broadcast %ge3A : i32 to vector<16xi32>
      %ge3A_38 = arith.cmpi sge, %add3A_36, %ge3A_37 : vector<16xi32>
      %sub3A = arith.constant 96 : i32
      %sub3A_39 = vector.broadcast %sub3A : i32 to vector<16xi32>
      %sub3A_40 = arith.subi %add3A_36, %sub3A_39 : vector<16xi32>
      %select_n3A = arith.select %ge3A_38, %sub3A_40, %add3A_36 : vector<16xi1>, vector<16xi32>
      %add3A_41 = arith.constant 0 : i32
      %add3A_42 = vector.broadcast %add3A_41 : i32 to vector<16xi32>
      %add3A_43 = arith.addi %iota3A, %add3A_42 : vector<16xi32>
      %gather3A = tpu.vector_load_idx %arg11[%add3A_43, %select_n3A] : memref<32x96xi32, #tpu.memory_space<vmem>>[vector<16xi32>, vector<16xi32>], vector<16xi32>,
      tpu.vector_store_idx %arg16[%add3A_43, %gather3A], %get3A_34 {add = true} : memref<32x16xf32, #tpu.memory_space<vmem>>[vector<16xi32>, vector<16xi32>], vector<16xf32>,
      %gather3A_44 = tpu.vector_load_idx %arg12[%add3A_43, %select_n3A] : memref<32x96xi32, #tpu.memory_space<vmem>>[vector<16xi32>, vector<16xi32>], vector<16xi32>,
      tpu.vector_store_idx %arg17[%add3A_43, %gather3A_44], %get3A_34 {add = true} : memref<32x16xf32, #tpu.memory_space<vmem>>[vector<16xi32>, vector<16xi32>], vector<16xf32>,
      %gather3A_45 = tpu.vector_load_idx %arg13[%add3A_43, %select_n3A] : memref<32x96xi32, #tpu.memory_space<vmem>>[vector<16xi32>, vector<16xi32>], vector<16xi32>,
      tpu.vector_store_idx %arg18[%add3A_43, %gather3A_45], %get3A_34 {add = true} : memref<32x64xf32, #tpu.memory_space<vmem>>[vector<16xi32>, vector<16xi32>], vector<16xf32>,
      %gather3A_46 = tpu.vector_load_idx %arg14[%add3A_43, %select_n3A] : memref<32x96xi32, #tpu.memory_space<vmem>>[vector<16xi32>, vector<16xi32>], vector<16xi32>,
      tpu.vector_store_idx %arg19[%add3A_43, %gather3A_46], %get3A_34 {add = true} : memref<32x1024xf32, #tpu.memory_space<vmem>>[vector<16xi32>, vector<16xi32>], vector<16xf32>,
      %add3A_47 = arith.constant 16 : i32
      %add3A_48 = vector.broadcast %add3A_47 : i32 to vector<16xi32>
      %add3A_49 = arith.addi %iota3A, %add3A_48 : vector<16xi32>
      %gather3A_50 = tpu.vector_load_idx %arg11[%add3A_49, %select_n3A] : memref<32x96xi32, #tpu.memory_space<vmem>>[vector<16xi32>, vector<16xi32>], vector<16xi32>,
      tpu.vector_store_idx %arg16[%add3A_49, %gather3A_50], %get3A_34 {add = true} : memref<32x16xf32, #tpu.memory_space<vmem>>[vector<16xi32>, vector<16xi32>], vector<16xf32>,
      %gather3A_51 = tpu.vector_load_idx %arg12[%add3A_49, %select_n3A] : memref<32x96xi32, #tpu.memory_space<vmem>>[vector<16xi32>, vector<16xi32>], vector<16xi32>,
      tpu.vector_store_idx %arg17[%add3A_49, %gather3A_51], %get3A_34 {add = true} : memref<32x16xf32, #tpu.memory_space<vmem>>[vector<16xi32>, vector<16xi32>], vector<16xf32>,
      %gather3A_52 = tpu.vector_load_idx %arg13[%add3A_49, %select_n3A] : memref<32x96xi32, #tpu.memory_space<vmem>>[vector<16xi32>, vector<16xi32>], vector<16xi32>,
      tpu.vector_store_idx %arg18[%add3A_49, %gather3A_52], %get3A_34 {add = true} : memref<32x64xf32, #tpu.memory_space<vmem>>[vector<16xi32>, vector<16xi32>], vector<16xf32>,
      %gather3A_53 = tpu.vector_load_idx %arg14[%add3A_49, %select_n3A] : memref<32x96xi32, #tpu.memory_space<vmem>>[vector<16xi32>, vector<16xi32>], vector<16xi32>,
      tpu.vector_store_idx %arg19[%add3A_49, %gather3A_53], %get3A_34 {add = true} : memref<32x1024xf32, #tpu.memory_space<vmem>>[vector<16xi32>, vector<16xi32>], vector<16xf32>,
      %scan3A_54 = arith.constant 1 : i32
      %scan3A_55 = arith.addi %scan3A_33, %scan3A_54 : i32
      %get3A_56 = arith.index_cast %scan3A_55 : i32 to index
      %get3A_57 = tpu.vector_load %arg15[%get3A_56] {strides = array<i32>} : memref<112xf32, #tpu.memory_space<vmem>>, vector<16xf32>,
      %add3A_58 = vector.broadcast %scan3A_55 : i32 to vector<16xi32>
      %add3A_59 = arith.addi %add3A_58, %iota3A : vector<16xi32>
      %ge3A_60 = arith.constant 96 : i32
      %ge3A_61 = vector.broadcast %ge3A_60 : i32 to vector<16xi32>
      %ge3A_62 = arith.cmpi sge, %add3A_59, %ge3A_61 : vector<16xi32>
      %sub3A_63 = arith.constant 96 : i32
      %sub3A_64 = vector.broadcast %sub3A_63 : i32 to vector<16xi32>
      %sub3A_65 = arith.subi %add3A_59, %sub3A_64 : vector<16xi32>
      %select_n3A_66 = arith.select %ge3A_62, %sub3A_65, %add3A_59 : vector<16xi1>, vector<16xi32>
      %add3A_67 = arith.constant 0 : i32
      %add3A_68 = vector.broadcast %add3A_67 : i32 to vector<16xi32>
      %add3A_69 = arith.addi %iota3A, %add3A_68 : vector<16xi32>
      %gather3A_70 = tpu.vector_load_idx %arg11[%add3A_69, %select_n3A_66] : memref<32x96xi32, #tpu.memory_space<vmem>>[vector<16xi32>, vector<16xi32>], vector<16xi32>,
      tpu.vector_store_idx %arg16[%add3A_69, %gather3A_70], %get3A_57 {add = true} : memref<32x16xf32, #tpu.memory_space<vmem>>[vector<16xi32>, vector<16xi32>], vector<16xf32>,
      %gather3A_71 = tpu.vector_load_idx %arg12[%add3A_69, %select_n3A_66] : memref<32x96xi32, #tpu.memory_space<vmem>>[vector<16xi32>, vector<16xi32>], vector<16xi32>,
      tpu.vector_store_idx %arg17[%add3A_69, %gather3A_71], %get3A_57 {add = true} : memref<32x16xf32, #tpu.memory_space<vmem>>[vector<16xi32>, vector<16xi32>], vector<16xf32>,
      %gather3A_72 = tpu.vector_load_idx %arg13[%add3A_69, %select_n3A_66] : memref<32x96xi32, #tpu.memory_space<vmem>>[vector<16xi32>, vector<16xi32>], vector<16xi32>,
      tpu.vector_store_idx %arg18[%add3A_69, %gather3A_72], %get3A_57 {add = true} : memref<32x64xf32, #tpu.memory_space<vmem>>[vector<16xi32>, vector<16xi32>], vector<16xf32>,
      %gather3A_73 = tpu.vector_load_idx %arg14[%add3A_69, %select_n3A_66] : memref<32x96xi32, #tpu.memory_space<vmem>>[vector<16xi32>, vector<16xi32>], vector<16xi32>,
      tpu.vector_store_idx %arg19[%add3A_69, %gather3A_73], %get3A_57 {add = true} : memref<32x1024xf32, #tpu.memory_space<vmem>>[vector<16xi32>, vector<16xi32>], vector<16xf32>,
      %add3A_74 = arith.constant 16 : i32
      %add3A_75 = vector.broadcast %add3A_74 : i32 to vector<16xi32>
      %add3A_76 = arith.addi %iota3A, %add3A_75 : vector<16xi32>
      %gather3A_77 = tpu.vector_load_idx %arg11[%add3A_76, %select_n3A_66] : memref<32x96xi32, #tpu.memory_space<vmem>>[vector<16xi32>, vector<16xi32>], vector<16xi32>,
      tpu.vector_store_idx %arg16[%add3A_76, %gather3A_77], %get3A_57 {add = true} : memref<32x16xf32, #tpu.memory_space<vmem>>[vector<16xi32>, vector<16xi32>], vector<16xf32>,
      %gather3A_78 = tpu.vector_load_idx %arg12[%add3A_76, %select_n3A_66] : memref<32x96xi32, #tpu.memory_space<vmem>>[vector<16xi32>, vector<16xi32>], vector<16xi32>,
      tpu.vector_store_idx %arg17[%add3A_76, %gather3A_78], %get3A_57 {add = true} : memref<32x16xf32, #tpu.memory_space<vmem>>[vector<16xi32>, vector<16xi32>], vector<16xf32>,
      %gather3A_79 = tpu.vector_load_idx %arg13[%add3A_76, %select_n3A_66] : memref<32x96xi32, #tpu.memory_space<vmem>>[vector<16xi32>, vector<16xi32>], vector<16xi32>,
      tpu.vector_store_idx %arg18[%add3A_76, %gather3A_79], %get3A_57 {add = true} : memref<32x64xf32, #tpu.memory_space<vmem>>[vector<16xi32>, vector<16xi32>], vector<16xf32>,
      %gather3A_80 = tpu.vector_load_idx %arg14[%add3A_76, %select_n3A_66] : memref<32x96xi32, #tpu.memory_space<vmem>>[vector<16xi32>, vector<16xi32>], vector<16xi32>,
      tpu.vector_store_idx %arg19[%add3A_76, %gather3A_80], %get3A_57 {add = true} : memref<32x1024xf32, #tpu.memory_space<vmem>>[vector<16xi32>, vector<16xi32>], vector<16xf32>,
    }
    %scan3A_32 = arith.constant 96 : i32
    "tpu.region"() ({
      %run_scoped3A = tpu.sem_alloc : memref<!tpu.dma_semaphore, #tpu.memory_space<semaphore_mem>>
      %dma_start3A = arith.constant 0 : i32
      %dma_start3A_33 = tpu.memref_slice %arg7[%mul3A_2, %dma_start3A] : memref<1024x16xf32, #tpu.memory_space<hbm>> -> memref<32x16xf32, #tpu.memory_space<hbm>>
      %dma_start3A_34 = arith.constant 0 : i32
      %dma_start3A_35 = tpu.memref_slice %arg7[%mul3A_2, %dma_start3A_34] : memref<1024x16xf32, #tpu.memory_space<hbm>> -> memref<32x16xf32, #tpu.memory_space<hbm>>
      tpu.enqueue_dma source(%arg16 : memref<32x16xf32, #tpu.memory_space<vmem>>) target(%dma_start3A_35 : memref<32x16xf32, #tpu.memory_space<hbm>>) target_semaphore(%run_scoped3A : memref<!tpu.dma_semaphore, #tpu.memory_space<semaphore_mem>>)
      %dma_wait3A = arith.constant 0 : i32
      %dma_wait3A_36 = tpu.memref_slice %arg7[%mul3A_2, %dma_wait3A] : memref<1024x16xf32, #tpu.memory_space<hbm>> -> memref<32x16xf32, #tpu.memory_space<hbm>>
      %dma_wait3A_37 = arith.constant 0 : i32
      %dma_wait3A_38 = tpu.memref_slice %arg7[%mul3A_2, %dma_wait3A_37] : memref<1024x16xf32, #tpu.memory_space<hbm>> -> memref<32x16xf32, #tpu.memory_space<hbm>>
      tpu.wait_dma2 semaphore(%run_scoped3A : memref<!tpu.dma_semaphore, #tpu.memory_space<semaphore_mem>>) src(%arg16 : memref<32x16xf32, #tpu.memory_space<vmem>>) dst(%dma_wait3A_38 : memref<32x16xf32, #tpu.memory_space<hbm>>)
      tpu.yield
    }) : () -> ()
    "tpu.region"() ({
      %run_scoped3A = tpu.sem_alloc : memref<!tpu.dma_semaphore, #tpu.memory_space<semaphore_mem>>
      %dma_start3A = arith.constant 0 : i32
      %dma_start3A_33 = tpu.memref_slice %arg8[%mul3A_2, %dma_start3A] : memref<1024x16xf32, #tpu.memory_space<hbm>> -> memref<32x16xf32, #tpu.memory_space<hbm>>
      %dma_start3A_34 = arith.constant 0 : i32
      %dma_start3A_35 = tpu.memref_slice %arg8[%mul3A_2, %dma_start3A_34] : memref<1024x16xf32, #tpu.memory_space<hbm>> -> memref<32x16xf32, #tpu.memory_space<hbm>>
      tpu.enqueue_dma source(%arg17 : memref<32x16xf32, #tpu.memory_space<vmem>>) target(%dma_start3A_35 : memref<32x16xf32, #tpu.memory_space<hbm>>) target_semaphore(%run_scoped3A : memref<!tpu.dma_semaphore, #tpu.memory_space<semaphore_mem>>)
      %dma_wait3A = arith.constant 0 : i32
      %dma_wait3A_36 = tpu.memref_slice %arg8[%mul3A_2, %dma_wait3A] : memref<1024x16xf32, #tpu.memory_space<hbm>> -> memref<32x16xf32, #tpu.memory_space<hbm>>
      %dma_wait3A_37 = arith.constant 0 : i32
      %dma_wait3A_38 = tpu.memref_slice %arg8[%mul3A_2, %dma_wait3A_37] : memref<1024x16xf32, #tpu.memory_space<hbm>> -> memref<32x16xf32, #tpu.memory_space<hbm>>
      tpu.wait_dma2 semaphore(%run_scoped3A : memref<!tpu.dma_semaphore, #tpu.memory_space<semaphore_mem>>) src(%arg17 : memref<32x16xf32, #tpu.memory_space<vmem>>) dst(%dma_wait3A_38 : memref<32x16xf32, #tpu.memory_space<hbm>>)
      tpu.yield
    }) : () -> ()
    "tpu.region"() ({
      %run_scoped3A = tpu.sem_alloc : memref<!tpu.dma_semaphore, #tpu.memory_space<semaphore_mem>>
      %dma_start3A = arith.constant 0 : i32
      %dma_start3A_33 = tpu.memref_slice %arg9[%mul3A_2, %dma_start3A] : memref<1024x64xf32, #tpu.memory_space<hbm>> -> memref<32x64xf32, #tpu.memory_space<hbm>>
      %dma_start3A_34 = arith.constant 0 : i32
      %dma_start3A_35 = tpu.memref_slice %arg9[%mul3A_2, %dma_start3A_34] : memref<1024x64xf32, #tpu.memory_space<hbm>> -> memref<32x64xf32, #tpu.memory_space<hbm>>
      tpu.enqueue_dma source(%arg18 : memref<32x64xf32, #tpu.memory_space<vmem>>) target(%dma_start3A_35 : memref<32x64xf32, #tpu.memory_space<hbm>>) target_semaphore(%run_scoped3A : memref<!tpu.dma_semaphore, #tpu.memory_space<semaphore_mem>>)
      %dma_wait3A = arith.constant 0 : i32
      %dma_wait3A_36 = tpu.memref_slice %arg9[%mul3A_2, %dma_wait3A] : memref<1024x64xf32, #tpu.memory_space<hbm>> -> memref<32x64xf32, #tpu.memory_space<hbm>>
      %dma_wait3A_37 = arith.constant 0 : i32
      %dma_wait3A_38 = tpu.memref_slice %arg9[%mul3A_2, %dma_wait3A_37] : memref<1024x64xf32, #tpu.memory_space<hbm>> -> memref<32x64xf32, #tpu.memory_space<hbm>>
      tpu.wait_dma2 semaphore(%run_scoped3A : memref<!tpu.dma_semaphore, #tpu.memory_space<semaphore_mem>>) src(%arg18 : memref<32x64xf32, #tpu.memory_space<vmem>>) dst(%dma_wait3A_38 : memref<32x64xf32, #tpu.memory_space<hbm>>)
      tpu.yield
    }) : () -> ()
    "tpu.region"() ({
      %run_scoped3A = tpu.sem_alloc : memref<!tpu.dma_semaphore, #tpu.memory_space<semaphore_mem>>
      %dma_start3A = arith.constant 0 : i32
      %dma_start3A_33 = tpu.memref_slice %arg10[%mul3A_2, %dma_start3A] : memref<1024x1024xf32, #tpu.memory_space<hbm>> -> memref<32x1024xf32, #tpu.memory_space<hbm>>
      %dma_start3A_34 = arith.constant 0 : i32
      %dma_start3A_35 = tpu.memref_slice %arg10[%mul3A_2, %dma_start3A_34] : memref<1024x1024xf32, #tpu.memory_space<hbm>> -> memref<32x1024xf32, #tpu.memory_space<hbm>>
      tpu.enqueue_dma source(%arg19 : memref<32x1024xf32, #tpu.memory_space<vmem>>) target(%dma_start3A_35 : memref<32x1024xf32, #tpu.memory_space<hbm>>) target_semaphore(%run_scoped3A : memref<!tpu.dma_semaphore, #tpu.memory_space<semaphore_mem>>)
      %dma_wait3A = arith.constant 0 : i32
      %dma_wait3A_36 = tpu.memref_slice %arg10[%mul3A_2, %dma_wait3A] : memref<1024x1024xf32, #tpu.memory_space<hbm>> -> memref<32x1024xf32, #tpu.memory_space<hbm>>
      %dma_wait3A_37 = arith.constant 0 : i32
      %dma_wait3A_38 = tpu.memref_slice %arg10[%mul3A_2, %dma_wait3A_37] : memref<1024x1024xf32, #tpu.memory_space<hbm>> -> memref<32x1024xf32, #tpu.memory_space<hbm>>
      tpu.wait_dma2 semaphore(%run_scoped3A : memref<!tpu.dma_semaphore, #tpu.memory_space<semaphore_mem>>) src(%arg19 : memref<32x1024xf32, #tpu.memory_space<vmem>>) dst(%dma_wait3A_38 : memref<32x1024xf32, #tpu.memory_space<hbm>>)
      tpu.yield
    }) : () -> ()
    return
  }
}

module attributes {stable_mosaic.version = 14 : i64} {
  func.func @_tc_body(%arg0: i32, %arg1: memref<256x1024xf32, #tpu.memory_space<vmem>>, %arg2: memref<256x16xf32, #tpu.memory_space<vmem>>, %arg3: memref<256x16xf32, #tpu.memory_space<vmem>>, %arg4: memref<256x64xf32, #tpu.memory_space<vmem>>, %arg5: memref<256x2xi32, #tpu.memory_space<vmem>>, %arg6: memref<8x64xf32, #tpu.memory_space<vmem>>, %arg7: memref<9x64xf32, #tpu.memory_space<vmem>>, %arg8: memref<51x64xf32, #tpu.memory_space<vmem>>, %arg9: memref<1001x64xf32, #tpu.memory_space<vmem>>, %arg10: memref<256x64xf32, #tpu.memory_space<vmem>>, %arg11: memref<1x64xf32, #tpu.memory_space<vmem>>, %arg12: memref<1001x64xf32, #tpu.memory_space<vmem>>, %arg13: memref<51x64xf32, #tpu.memory_space<vmem>>, %arg14: memref<64x1000xf32, #tpu.memory_space<vmem>>, %arg15: memref<64x1000xf32, #tpu.memory_space<vmem>>, %arg16: memref<64x1000xf32, #tpu.memory_space<vmem>>, %arg17: memref<4x1000xf32, #tpu.memory_space<vmem>>, %arg18: memref<256x1000xf32, #tpu.memory_space<vmem>>) attributes {dimension_semantics = [#tpu.dimension_semantics<arbitrary>], iteration_bounds = array<i64: 4>, scalar_prefetch = 0 : i64, scratch_operands = 0 : i64, tpu.core_type = #tpu.core_type<tc>, window_params = [{transform_indices = @transform_0, window_bounds = array<i64: 256, 1024>}, {transform_indices = @transform_1, window_bounds = array<i64: 256, 16>}, {transform_indices = @transform_2, window_bounds = array<i64: 256, 16>}, {transform_indices = @transform_3, window_bounds = array<i64: 256, 64>}, {transform_indices = @transform_4, window_bounds = array<i64: 256, 2>}, {pipeline_mode = #tpu.pipeline_mode<synchronous>, transform_indices = @transform_5, window_bounds = array<i64: 8, 64>}, {pipeline_mode = #tpu.pipeline_mode<synchronous>, transform_indices = @transform_6, window_bounds = array<i64: 9, 64>}, {pipeline_mode = #tpu.pipeline_mode<synchronous>, transform_indices = @transform_7, window_bounds = array<i64: 51, 64>}, {pipeline_mode = #tpu.pipeline_mode<synchronous>, transform_indices = @transform_8, window_bounds = array<i64: 1001, 64>}, {pipeline_mode = #tpu.pipeline_mode<synchronous>, transform_indices = @transform_9, window_bounds = array<i64: 256, 64>}, {pipeline_mode = #tpu.pipeline_mode<synchronous>, transform_indices = @transform_10, window_bounds = array<i64: 1, 64>}, {pipeline_mode = #tpu.pipeline_mode<synchronous>, transform_indices = @transform_11, window_bounds = array<i64: 1001, 64>}, {pipeline_mode = #tpu.pipeline_mode<synchronous>, transform_indices = @transform_12, window_bounds = array<i64: 51, 64>}, {pipeline_mode = #tpu.pipeline_mode<synchronous>, transform_indices = @transform_13, window_bounds = array<i64: 64, 1000>}, {pipeline_mode = #tpu.pipeline_mode<synchronous>, transform_indices = @transform_14, window_bounds = array<i64: 64, 1000>}, {pipeline_mode = #tpu.pipeline_mode<synchronous>, transform_indices = @transform_15, window_bounds = array<i64: 64, 1000>}, {pipeline_mode = #tpu.pipeline_mode<synchronous>, transform_indices = @transform_16, window_bounds = array<i64: 4, 1000>}, {transform_indices = @transform_17, window_bounds = array<i64: 256, 1000>}]} {
    %get3A = arith.constant 0 : index
    %get3A_0 = arith.constant 0 : index
    %get3A_1 = vector.load %arg2[%get3A, %get3A_0] : memref<256x16xf32, #tpu.memory_space<vmem>>, vector<256x16xf32>
    %slice3A = vector.extract_strided_slice %get3A_1 {offsets = [0, 0], sizes = [256, 8], strides = [1, 1]} : vector<256x16xf32> to vector<256x8xf32>
    %get3A_2 = arith.constant 0 : index
    %get3A_3 = arith.constant 0 : index
    %get3A_4 = vector.load %arg6[%get3A_2, %get3A_3] : memref<8x64xf32, #tpu.memory_space<vmem>>, vector<8x64xf32>
    %dot_general3A = arith.constant dense<0.000000e+00> : vector<256x64xf32>
    %dot_general3A_5 = tpu.matmul %slice3A, %get3A_4, %dot_general3A {dimension_numbers = #tpu.dot_dimension_numbers<[1], [0], [0], [1], [0, 0, 1, 1], [], []>, transpose_lhs_hint = false} : vector<256x8xf32>, vector<8x64xf32>, vector<256x64xf32> -> vector<256x64xf32>
    %get3A_6 = arith.constant 0 : index
    %get3A_7 = arith.constant 0 : index
    %get3A_8 = vector.load %arg3[%get3A_6, %get3A_7] : memref<256x16xf32, #tpu.memory_space<vmem>>, vector<256x16xf32>
    %slice3A_9 = vector.extract_strided_slice %get3A_8 {offsets = [0, 0], sizes = [256, 9], strides = [1, 1]} : vector<256x16xf32> to vector<256x9xf32>
    %get3A_10 = arith.constant 0 : index
    %get3A_11 = arith.constant 0 : index
    %get3A_12 = vector.load %arg7[%get3A_10, %get3A_11] : memref<9x64xf32, #tpu.memory_space<vmem>>, vector<9x64xf32>
    %dot_general3A_13 = arith.constant dense<0.000000e+00> : vector<256x64xf32>
    %dot_general3A_14 = tpu.matmul %slice3A_9, %get3A_12, %dot_general3A_13 {dimension_numbers = #tpu.dot_dimension_numbers<[1], [0], [0], [1], [0, 0, 1, 1], [], []>, transpose_lhs_hint = false} : vector<256x9xf32>, vector<9x64xf32>, vector<256x64xf32> -> vector<256x64xf32>
    %get3A_15 = arith.constant 0 : index
    %get3A_16 = arith.constant 0 : index
    %get3A_17 = vector.load %arg4[%get3A_15, %get3A_16] : memref<256x64xf32, #tpu.memory_space<vmem>>, vector<256x64xf32>
    %slice3A_18 = vector.extract_strided_slice %get3A_17 {offsets = [0, 0], sizes = [256, 51], strides = [1, 1]} : vector<256x64xf32> to vector<256x51xf32>
    %get3A_19 = arith.constant 0 : index
    %get3A_20 = arith.constant 0 : index
    %get3A_21 = vector.load %arg8[%get3A_19, %get3A_20] : memref<51x64xf32, #tpu.memory_space<vmem>>, vector<51x64xf32>
    %dot_general3A_22 = arith.constant dense<0.000000e+00> : vector<256x64xf32>
    %dot_general3A_23 = tpu.matmul %slice3A_18, %get3A_21, %dot_general3A_22 {dimension_numbers = #tpu.dot_dimension_numbers<[1], [0], [0], [1], [0, 0, 1, 1], [], []>, transpose_lhs_hint = false} : vector<256x51xf32>, vector<51x64xf32>, vector<256x64xf32> -> vector<256x64xf32>
    %get3A_24 = arith.constant 0 : index
    %get3A_25 = arith.constant 0 : index
    %get3A_26 = vector.load %arg1[%get3A_24, %get3A_25] : memref<256x1024xf32, #tpu.memory_space<vmem>>, vector<256x1024xf32>
    %slice3A_27 = vector.extract_strided_slice %get3A_26 {offsets = [0, 0], sizes = [256, 1001], strides = [1, 1]} : vector<256x1024xf32> to vector<256x1001xf32>
    %get3A_28 = arith.constant 0 : index
    %get3A_29 = arith.constant 0 : index
    %get3A_30 = vector.load %arg9[%get3A_28, %get3A_29] : memref<1001x64xf32, #tpu.memory_space<vmem>>, vector<1001x64xf32>
    %dot_general3A_31 = arith.constant dense<0.000000e+00> : vector<256x64xf32>
    %dot_general3A_32 = tpu.matmul %slice3A_27, %get3A_30, %dot_general3A_31 {dimension_numbers = #tpu.dot_dimension_numbers<[1], [0], [0], [1], [0, 0, 1, 1], [], []>, transpose_lhs_hint = false} : vector<256x1001xf32>, vector<1001x64xf32>, vector<256x64xf32> -> vector<256x64xf32>
    %get3A_33 = arith.constant 0 : index
    %get3A_34 = arith.constant 0 : index
    %get3A_35 = vector.load %arg10[%get3A_33, %get3A_34] : memref<256x64xf32, #tpu.memory_space<vmem>>, vector<256x64xf32>
    %slice3A_36 = vector.extract_strided_slice %get3A_35 {offsets = [0, 0], sizes = [64, 64], strides = [1, 1]} : vector<256x64xf32> to vector<64x64xf32>
    %dot_general3A_37 = arith.constant dense<0.000000e+00> : vector<256x64xf32>
    %dot_general3A_38 = tpu.matmul %dot_general3A_5, %slice3A_36, %dot_general3A_37 {dimension_numbers = #tpu.dot_dimension_numbers<[1], [0], [0], [1], [0, 0, 1, 1], [], []>, transpose_lhs_hint = false} : vector<256x64xf32>, vector<64x64xf32>, vector<256x64xf32> -> vector<256x64xf32>
    %slice3A_39 = vector.extract_strided_slice %get3A_35 {offsets = [64, 0], sizes = [64, 64], strides = [1, 1]} : vector<256x64xf32> to vector<64x64xf32>
    %dot_general3A_40 = arith.constant dense<0.000000e+00> : vector<256x64xf32>
    %dot_general3A_41 = tpu.matmul %dot_general3A_14, %slice3A_39, %dot_general3A_40 {dimension_numbers = #tpu.dot_dimension_numbers<[1], [0], [0], [1], [0, 0, 1, 1], [], []>, transpose_lhs_hint = false} : vector<256x64xf32>, vector<64x64xf32>, vector<256x64xf32> -> vector<256x64xf32>
    %add3A = arith.addf %dot_general3A_38, %dot_general3A_41 : vector<256x64xf32>
    %slice3A_42 = vector.extract_strided_slice %get3A_35 {offsets = [128, 0], sizes = [64, 64], strides = [1, 1]} : vector<256x64xf32> to vector<64x64xf32>
    %dot_general3A_43 = arith.constant dense<0.000000e+00> : vector<256x64xf32>
    %dot_general3A_44 = tpu.matmul %dot_general3A_23, %slice3A_42, %dot_general3A_43 {dimension_numbers = #tpu.dot_dimension_numbers<[1], [0], [0], [1], [0, 0, 1, 1], [], []>, transpose_lhs_hint = false} : vector<256x64xf32>, vector<64x64xf32>, vector<256x64xf32> -> vector<256x64xf32>
    %add3A_45 = arith.addf %add3A, %dot_general3A_44 : vector<256x64xf32>
    %slice3A_46 = vector.extract_strided_slice %get3A_35 {offsets = [192, 0], sizes = [64, 64], strides = [1, 1]} : vector<256x64xf32> to vector<64x64xf32>
    %dot_general3A_47 = arith.constant dense<0.000000e+00> : vector<256x64xf32>
    %dot_general3A_48 = tpu.matmul %dot_general3A_32, %slice3A_46, %dot_general3A_47 {dimension_numbers = #tpu.dot_dimension_numbers<[1], [0], [0], [1], [0, 0, 1, 1], [], []>, transpose_lhs_hint = false} : vector<256x64xf32>, vector<64x64xf32>, vector<256x64xf32> -> vector<256x64xf32>
    %add3A_49 = arith.addf %add3A_45, %dot_general3A_48 : vector<256x64xf32>
    %mul3A = arith.constant 5.000000e-03 : f32
    %mul3A_50 = vector.broadcast %mul3A : f32 to vector<256x64xf32>
    %mul3A_51 = arith.mulf %add3A_49, %mul3A_50 : vector<256x64xf32>
    %get3A_52 = arith.constant 0 : index
    %get3A_53 = arith.constant 0 : index
    %get3A_54 = vector.load %arg11[%get3A_52, %get3A_53] : memref<1x64xf32, #tpu.memory_space<vmem>>, vector<1x64xf32>
    %add3A_55 = vector.broadcast %get3A_54 : vector<1x64xf32> to vector<256x64xf32>
    %add3A_56 = arith.addf %mul3A_51, %add3A_55 : vector<256x64xf32>
    %get3A_57 = arith.constant 0 : index
    %get3A_58 = arith.constant 0 : index
    %get3A_59 = vector.load %arg5[%get3A_57, %get3A_58] : memref<256x2xi32, #tpu.memory_space<vmem>>, vector<256x2xi32>
    %iota3A = tpu.iota {dimensions = array<i32: 1>} : vector<256x1001xi32>
    %slice3A_60 = vector.extract_strided_slice %get3A_59 {offsets = [0, 0], sizes = [256, 1], strides = [1, 1]} : vector<256x2xi32> to vector<256x1xi32>
    %eq3A = vector.broadcast %slice3A_60 : vector<256x1xi32> to vector<256x1001xi32>
    %eq3A_61 = arith.cmpi eq, %iota3A, %eq3A : vector<256x1001xi32>
    %convert_element_type3A = arith.extui %eq3A_61 : vector<256x1001xi1> to vector<256x1001xi32>
    %convert_element_type3A_62 = arith.sitofp %convert_element_type3A : vector<256x1001xi32> to vector<256x1001xf32>
    %iota3A_63 = tpu.iota {dimensions = array<i32: 1>} : vector<256x51xi32>
    %slice3A_64 = vector.extract_strided_slice %get3A_59 {offsets = [0, 1], sizes = [256, 1], strides = [1, 1]} : vector<256x2xi32> to vector<256x1xi32>
    %eq3A_65 = vector.broadcast %slice3A_64 : vector<256x1xi32> to vector<256x51xi32>
    %eq3A_66 = arith.cmpi eq, %iota3A_63, %eq3A_65 : vector<256x51xi32>
    %convert_element_type3A_67 = arith.extui %eq3A_66 : vector<256x51xi1> to vector<256x51xi32>
    %convert_element_type3A_68 = arith.sitofp %convert_element_type3A_67 : vector<256x51xi32> to vector<256x51xf32>
    %get3A_69 = arith.constant 0 : index
    %get3A_70 = arith.constant 0 : index
    %get3A_71 = vector.load %arg12[%get3A_69, %get3A_70] : memref<1001x64xf32, #tpu.memory_space<vmem>>, vector<1001x64xf32>
    %dot_general3A_72 = arith.constant dense<0.000000e+00> : vector<256x64xf32>
    %dot_general3A_73 = tpu.matmul %convert_element_type3A_62, %get3A_71, %dot_general3A_72 {dimension_numbers = #tpu.dot_dimension_numbers<[1], [0], [0], [1], [0, 0, 1, 1], [], []>, transpose_lhs_hint = false} : vector<256x1001xf32>, vector<1001x64xf32>, vector<256x64xf32> -> vector<256x64xf32>
    %get3A_74 = arith.constant 0 : index
    %get3A_75 = arith.constant 0 : index
    %get3A_76 = vector.load %arg13[%get3A_74, %get3A_75] : memref<51x64xf32, #tpu.memory_space<vmem>>, vector<51x64xf32>
    %dot_general3A_77 = arith.constant dense<0.000000e+00> : vector<256x64xf32>
    %dot_general3A_78 = tpu.matmul %convert_element_type3A_68, %get3A_76, %dot_general3A_77 {dimension_numbers = #tpu.dot_dimension_numbers<[1], [0], [0], [1], [0, 0, 1, 1], [], []>, transpose_lhs_hint = false} : vector<256x51xf32>, vector<51x64xf32>, vector<256x64xf32> -> vector<256x64xf32>
    %get3A_79 = arith.constant 0 : index
    %get3A_80 = arith.constant 0 : index
    %get3A_81 = vector.load %arg17[%get3A_79, %get3A_80] : memref<4x1000xf32, #tpu.memory_space<vmem>>, vector<4x1000xf32>
    %get3A_82 = arith.constant 0 : index
    %get3A_83 = arith.constant 0 : index
    %get3A_84 = vector.load %arg14[%get3A_82, %get3A_83] : memref<64x1000xf32, #tpu.memory_space<vmem>>, vector<64x1000xf32>
    %dot_general3A_85 = arith.constant dense<0.000000e+00> : vector<256x1000xf32>
    %dot_general3A_86 = tpu.matmul %dot_general3A_73, %get3A_84, %dot_general3A_85 {dimension_numbers = #tpu.dot_dimension_numbers<[1], [0], [0], [1], [0, 0, 1, 1], [], []>, transpose_lhs_hint = false} : vector<256x64xf32>, vector<64x1000xf32>, vector<256x1000xf32> -> vector<256x1000xf32>
    %get3A_87 = arith.constant 0 : index
    %get3A_88 = arith.constant 0 : index
    %get3A_89 = vector.load %arg15[%get3A_87, %get3A_88] : memref<64x1000xf32, #tpu.memory_space<vmem>>, vector<64x1000xf32>
    %dot_general3A_90 = arith.constant dense<0.000000e+00> : vector<256x1000xf32>
    %dot_general3A_91 = tpu.matmul %dot_general3A_78, %get3A_89, %dot_general3A_90 {dimension_numbers = #tpu.dot_dimension_numbers<[1], [0], [0], [1], [0, 0, 1, 1], [], []>, transpose_lhs_hint = false} : vector<256x64xf32>, vector<64x1000xf32>, vector<256x1000xf32> -> vector<256x1000xf32>
    %slice3A_92 = vector.extract_strided_slice %get3A_81 {offsets = [0, 0], sizes = [1, 1000], strides = [1, 1]} : vector<4x1000xf32> to vector<1x1000xf32>
    %add3A_93 = vector.broadcast %slice3A_92 : vector<1x1000xf32> to vector<256x1000xf32>
    %add3A_94 = arith.addf %dot_general3A_91, %add3A_93 : vector<256x1000xf32>
    %reduce_sum3A = arith.constant dense<0.000000e+00> : vector<256xf32>
    %reduce_sum3A_95 = vector.multi_reduction <add>, %dot_general3A_86, %reduce_sum3A [1] : vector<256x1000xf32> to vector<256xf32>
    %broadcast_in_dim3A = vector.shape_cast %reduce_sum3A_95 : vector<256xf32> to vector<256x1xf32>
    %mul3A_96 = arith.constant 1.000000e-03 : f32
    %mul3A_97 = vector.broadcast %mul3A_96 : f32 to vector<256x1xf32>
    %mul3A_98 = arith.mulf %broadcast_in_dim3A, %mul3A_97 : vector<256x1xf32>
    %reduce_sum3A_99 = arith.constant dense<0.000000e+00> : vector<256xf32>
    %reduce_sum3A_100 = vector.multi_reduction <add>, %add3A_94, %reduce_sum3A_99 [1] : vector<256x1000xf32> to vector<256xf32>
    %broadcast_in_dim3A_101 = vector.shape_cast %reduce_sum3A_100 : vector<256xf32> to vector<256x1xf32>
    %mul3A_102 = arith.constant 1.000000e-03 : f32
    %mul3A_103 = vector.broadcast %mul3A_102 : f32 to vector<256x1xf32>
    %mul3A_104 = arith.mulf %broadcast_in_dim3A_101, %mul3A_103 : vector<256x1xf32>
    %add3A_105 = arith.addf %dot_general3A_86, %add3A_94 : vector<256x1000xf32>
    %get3A_106 = arith.constant 0 : index
    %get3A_107 = arith.constant 0 : index
    %get3A_108 = vector.load %arg16[%get3A_106, %get3A_107] : memref<64x1000xf32, #tpu.memory_space<vmem>>, vector<64x1000xf32>
    %dot_general3A_109 = arith.constant dense<0.000000e+00> : vector<256x1000xf32>
    %dot_general3A_110 = tpu.matmul %add3A_56, %get3A_108, %dot_general3A_109 {dimension_numbers = #tpu.dot_dimension_numbers<[1], [0], [0], [1], [0, 0, 1, 1], [], []>, transpose_lhs_hint = false} : vector<256x64xf32>, vector<64x1000xf32>, vector<256x1000xf32> -> vector<256x1000xf32>
    %add3A_111 = arith.addf %add3A_105, %dot_general3A_110 : vector<256x1000xf32>
    %slice3A_112 = vector.extract_strided_slice %get3A_81 {offsets = [1, 0], sizes = [1, 1000], strides = [1, 1]} : vector<4x1000xf32> to vector<1x1000xf32>
    %mul3A_113 = vector.broadcast %mul3A_98 : vector<256x1xf32> to vector<256x1000xf32>
    %mul3A_114 = vector.broadcast %slice3A_112 : vector<1x1000xf32> to vector<256x1000xf32>
    %mul3A_115 = arith.mulf %mul3A_113, %mul3A_114 : vector<256x1000xf32>
    %add3A_116 = arith.addf %add3A_111, %mul3A_115 : vector<256x1000xf32>
    %slice3A_117 = vector.extract_strided_slice %get3A_81 {offsets = [2, 0], sizes = [1, 1000], strides = [1, 1]} : vector<4x1000xf32> to vector<1x1000xf32>
    %mul3A_118 = vector.broadcast %mul3A_104 : vector<256x1xf32> to vector<256x1000xf32>
    %mul3A_119 = vector.broadcast %slice3A_117 : vector<1x1000xf32> to vector<256x1000xf32>
    %mul3A_120 = arith.mulf %mul3A_118, %mul3A_119 : vector<256x1000xf32>
    %add3A_121 = arith.addf %add3A_116, %mul3A_120 : vector<256x1000xf32>
    %slice3A_122 = vector.extract_strided_slice %get3A_81 {offsets = [3, 0], sizes = [1, 1000], strides = [1, 1]} : vector<4x1000xf32> to vector<1x1000xf32>
    %add3A_123 = vector.broadcast %slice3A_122 : vector<1x1000xf32> to vector<256x1000xf32>
    %add3A_124 = arith.addf %add3A_121, %add3A_123 : vector<256x1000xf32>
    %swap3A = arith.constant 0 : index
    %swap3A_125 = arith.constant 0 : index
    %swap3A_126 = vector.load %arg18[%swap3A, %swap3A_125] : memref<256x1000xf32, #tpu.memory_space<vmem>>, vector<256x1000xf32>
    tpu.vector_store %arg18[%swap3A, %swap3A_125], %add3A_124 {strides = array<i32>} : memref<256x1000xf32, #tpu.memory_space<vmem>>, vector<256x1000xf32>,
    return
  }
  func.func @transform_0(%arg0: i32) -> (i32, i32) {
    %c0_i32 = arith.constant 0 : i32
    %c0_i32_0 = arith.constant 0 : i32
    return %arg0, %c0_i32 : i32, i32
  }
  func.func @transform_1(%arg0: i32) -> (i32, i32) {
    %c0_i32 = arith.constant 0 : i32
    %c0_i32_0 = arith.constant 0 : i32
    return %arg0, %c0_i32 : i32, i32
  }
  func.func @transform_2(%arg0: i32) -> (i32, i32) {
    %c0_i32 = arith.constant 0 : i32
    %c0_i32_0 = arith.constant 0 : i32
    return %arg0, %c0_i32 : i32, i32
  }
  func.func @transform_3(%arg0: i32) -> (i32, i32) {
    %c0_i32 = arith.constant 0 : i32
    %c0_i32_0 = arith.constant 0 : i32
    return %arg0, %c0_i32 : i32, i32
  }
  func.func @transform_4(%arg0: i32) -> (i32, i32) {
    %c0_i32 = arith.constant 0 : i32
    %c0_i32_0 = arith.constant 0 : i32
    return %arg0, %c0_i32 : i32, i32
  }
  func.func @transform_5(%arg0: i32) -> (i32, i32) {
    %c0_i32 = arith.constant 0 : i32
    %c0_i32_0 = arith.constant 0 : i32
    %c0_i32_1 = arith.constant 0 : i32
    return %c0_i32, %c0_i32_0 : i32, i32
  }
  func.func @transform_6(%arg0: i32) -> (i32, i32) {
    %c0_i32 = arith.constant 0 : i32
    %c0_i32_0 = arith.constant 0 : i32
    %c0_i32_1 = arith.constant 0 : i32
    return %c0_i32, %c0_i32_0 : i32, i32
  }
  func.func @transform_7(%arg0: i32) -> (i32, i32) {
    %c0_i32 = arith.constant 0 : i32
    %c0_i32_0 = arith.constant 0 : i32
    %c0_i32_1 = arith.constant 0 : i32
    return %c0_i32, %c0_i32_0 : i32, i32
  }
  func.func @transform_8(%arg0: i32) -> (i32, i32) {
    %c0_i32 = arith.constant 0 : i32
    %c0_i32_0 = arith.constant 0 : i32
    %c0_i32_1 = arith.constant 0 : i32
    return %c0_i32, %c0_i32_0 : i32, i32
  }
  func.func @transform_9(%arg0: i32) -> (i32, i32) {
    %c0_i32 = arith.constant 0 : i32
    %c0_i32_0 = arith.constant 0 : i32
    %c0_i32_1 = arith.constant 0 : i32
    return %c0_i32, %c0_i32_0 : i32, i32
  }
  func.func @transform_10(%arg0: i32) -> (i32, i32) {
    %c0_i32 = arith.constant 0 : i32
    %c0_i32_0 = arith.constant 0 : i32
    %c0_i32_1 = arith.constant 0 : i32
    return %c0_i32, %c0_i32_0 : i32, i32
  }
  func.func @transform_11(%arg0: i32) -> (i32, i32) {
    %c0_i32 = arith.constant 0 : i32
    %c0_i32_0 = arith.constant 0 : i32
    %c0_i32_1 = arith.constant 0 : i32
    return %c0_i32, %c0_i32_0 : i32, i32
  }
  func.func @transform_12(%arg0: i32) -> (i32, i32) {
    %c0_i32 = arith.constant 0 : i32
    %c0_i32_0 = arith.constant 0 : i32
    %c0_i32_1 = arith.constant 0 : i32
    return %c0_i32, %c0_i32_0 : i32, i32
  }
  func.func @transform_13(%arg0: i32) -> (i32, i32) {
    %c0_i32 = arith.constant 0 : i32
    %c0_i32_0 = arith.constant 0 : i32
    %c0_i32_1 = arith.constant 0 : i32
    return %c0_i32, %c0_i32_0 : i32, i32
  }
  func.func @transform_14(%arg0: i32) -> (i32, i32) {
    %c0_i32 = arith.constant 0 : i32
    %c0_i32_0 = arith.constant 0 : i32
    %c0_i32_1 = arith.constant 0 : i32
    return %c0_i32, %c0_i32_0 : i32, i32
  }
  func.func @transform_15(%arg0: i32) -> (i32, i32) {
    %c0_i32 = arith.constant 0 : i32
    %c0_i32_0 = arith.constant 0 : i32
    %c0_i32_1 = arith.constant 0 : i32
    return %c0_i32, %c0_i32_0 : i32, i32
  }
  func.func @transform_16(%arg0: i32) -> (i32, i32) {
    %c0_i32 = arith.constant 0 : i32
    %c0_i32_0 = arith.constant 0 : i32
    %c0_i32_1 = arith.constant 0 : i32
    return %c0_i32, %c0_i32_0 : i32, i32
  }
  func.func @transform_17(%arg0: i32) -> (i32, i32) {
    %c0_i32 = arith.constant 0 : i32
    %c0_i32_0 = arith.constant 0 : i32
    return %arg0, %c0_i32 : i32, i32
  }
}

</mosaic_0001>

<sc_bundles>
// kernel: kernel.4.cloned.1.call-start
scs
__scs_entry_jumppad:
0x0: {  	(pc) =	sbr.rel $0x88, $3  }
0x1: {  	(tag) =	ssettag $0x0;
	lr =	simm.s32 $0x1  }
0x2: {  	[smem:$0x3F90] =	sst lr;
	_ =	strace $0xD0000000  }
0x3: {  	_ = 	snop  }
0x4: {  	_ = 	snop  }
0x5: {  	_ = 	snop  }
0x6: {  	_ = 	snop  }
0x7: {  	_ = 	snop  }
__scs_overlays_trampoline_lowered:
0x8: {  	[smem:$0x3F9F] =	sst s0  }
0x9: {  	[smem:$0x3FA0] =	sst s1  }
0xa: {  	[smem:$0x3FA1] =	sst s2  }
0xb: {  	[smem:$0x3FA2] =	sst s3  }
0xc: {  	[smem:$0x3FA3] =	sst s4  }
0xd: {  	[smem:$0x3FA4] =	sst s5  }
0xe: {  	[smem:$0x3FA5] =	sst s6  }
0xf: {  	[smem:$0x3FA6] =	sst s7  }
0x10: {  	[smem:$0x3FA7] =	sst s8  }
0x11: {  	[smem:$0x3FA8] =	sst s9;
	s0 =	simm.s32 @!p0 $0x0  }
0x12: {  	s1 =	sld [smem:$0x3F8E];
	s0 =	simm.s32 @p0 $0x1  }
0x13: {  	[smem:$0x3FA9] =	sst s0;
	s0 =	simm.s32 @!p1 $0x0  }
0x14: {  	s2 =	sld [smem:$0x3F8D];
	s0 =	simm.s32 @p1 $0x1  }
0x15: {  	[smem:$0x3FAA] =	sst s0;
	s0 =	simm.s32 @!p2 $0x0  }
0x16: {  	s3 =	sld [smem:$0x3FDB];
	s0 =	simm.s32 @p2 $0x1  }
0x17: {  	s4 =	simm.s32 $0x1BF5;
	[smem:$0x3FAC] =	sst s0  }
0x18: {  	s0 =	sld [smem:$0x3F8F];
	_ =	swait.ge [sflag:s4], $0x0  }
0x19: {  	s7 =	sld [smem:$0x3F90]  }
0x1a: {  	s8 =	sadd.s32 $0xFFFFE003, lr  }
0x1b: {  	s9 =	sadd.s32 $0xFFFFFEF7, lr;
	s5 =	simm.s32 $0xFFFFFFFF;
	p2 =	slt.u32 s8, $0xFFFFF086  }
0x1c: {  	p1 =	slt.u32 s9, $0xF7A;
	s5 =	simm.s32 @!p2 $0x0  }
0x1d: {  	s5 =	simm.s32 @p1 $0x1;
	p0 =	seq.s32 s7, s2  }
0x1e: {  	s7 =	smul.u32 @!p0 $0xF7A, s2;
	p2 =	seq.s32 @!p0 s5, $0x0  }
0x1f: {  	s9 =	smul.u32 $0xF7A, s1;
	s8 =	simm.s32 @!p0 $0x1BF5;
	p2 =	por !p2, p0  }
0x20: {  	[sflag:s8] =	ssyncset.s32 @!p0 $0xFFFFF086;
	s6 =	sadd.s32 @!p0 s3, s7;
	s7 =	simm.s32 @!p0 $0x108  }
0x21: {  	s3 =	sadd.s32 s3, s9;
	s6 =	sadd.s32 @!p0 $0x88, s6;
	s7 =	simm.s32 @p2 $0x1082  }
0x22: {  	[simem:s7], [sflag:s8] =	dma.local @!p0 [hbm:s6], $0xF7A  }
0x23: {  	s9 =	sor.u32 $0xD0000000, s2;
	s6 =	simm.s32 $0x108;
	_ =	swait.ge @!p0 [sflag:s8], $0x0  }
0x24: {  	s3 =	sadd.s32 $0x88, s3;
	s6 =	simm.s32 @!p1 $0x1082;
	[sflag:s4] =	ssyncset.s32 $0xFFFFF086  }
0x25: {  	[simem:s6], [sflag:s4] =	dma.local [hbm:s3], $0xF7A  }
0x26: {  	[smem:$0x3F90] =	sst s1;
	(tag) =	ssettag s2;
	_ =	strace s9  }
0x27: {  	s1 =	sld [smem:$0x3FA0]  }
0x28: {  	s2 =	sld [smem:$0x3FA1]  }
0x29: {  	s4 =	sld [smem:$0x3FA3]  }
0x2a: {  	p0 =	seq.s32 s5, $0x0;
	s5 =	sld [smem:$0x3FA4]  }
0x2b: {  	s6 =	sld [smem:$0x3FA5]  }
0x2c: {  	s7 =	sld [smem:$0x3FA6]  }
0x2d: {  	s3 =	simm.s32 $0x108;
	s8 =	sld [smem:$0x3FA7]  }
0x2e: {  	s3 =	simm.s32 @!p0 $0x1082;
	s9 =	sld [smem:$0x3FA8]  }
0x2f: {  	lr =	sadd.s32 s0, s3;
	s0 =	sld [smem:$0x3F9F]  }
0x30: {  	s3 =	sld [smem:$0x3FA2]  }
0x31: {  	[smem:$0x3FAB] =	sst s10  }
0x32: {  	s10 =	sld [smem:$0x3FA9];
	_ =	sdelay $0x3  }
0x33: {  	p0 =	seq.s32 s10, $0x1;
	s10 =	sld [smem:$0x3FAB];
	_ =	sdelay $0x3  }
0x34: {  	[smem:$0x3FAB] =	sst s10  }
0x35: {  	s10 =	sld [smem:$0x3FAA];
	_ =	sdelay $0x3  }
0x36: {  	p1 =	seq.s32 s10, $0x1;
	s10 =	sld [smem:$0x3FAB];
	_ =	sdelay $0x3  }
0x37: {  	[smem:$0x3FAB] =	sst s10  }
0x38: {  	s10 =	sld [smem:$0x3FAC]  }
0x39: {  	_ = 	snop;
	(pc) =	sbr.ind lr, $3  }
0x3a: {  	_ = 	snop  }
0x3b: {  	_ = 	snop  }
0x3c: {  	p2 =	seq.s32 s10, $0x1;
	s10 =	sld [smem:$0x3FAB]  }
0x3d: {  	_ =	shalt  }
0x3e: {  	_ =	shalt  }
0x3f: {  	_ =	shalt  }
0x40: {  	_ =	shalt  }
0x41: {  	_ =	shalt  }
0x42: {  	_ =	shalt  }
0x43: {  	_ =	shalt  }
0x44: {  	_ =	shalt  }
0x45: {  	_ =	shalt  }
0x46: {  	_ =	shalt  }
0x47: {  	_ =	shalt  }
0x48: {  	_ =	shalt  }
0x49: {  	_ =	shalt  }
0x4a: {  	_ =	shalt  }
0x4b: {  	_ =	shalt  }
0x4c: {  	_ =	shalt  }
0x4d: {  	_ =	shalt  }
0x4e: {  	_ =	shalt  }
0x4f: {  	_ =	shalt  }
0x50: {  	_ =	shalt  }
0x51: {  	_ =	shalt  }
0x52: {  	_ =	shalt  }
0x53: {  	_ =	shalt  }
0x54: {  	_ =	shalt  }
0x55: {  	_ =	shalt  }
0x56: {  	_ =	shalt  }
0x57: {  	_ =	shalt  }
0x58: {  	_ =	shalt  }
0x59: {  	_ =	shalt  }
0x5a: {  	_ =	shalt  }
0x5b: {  	_ =	shalt  }
0x5c: {  	_ =	shalt  }
0x5d: {  	_ =	shalt  }
0x5e: {  	_ =	shalt  }
0x5f: {  	_ =	shalt  }
0x60: {  	_ =	shalt  }
0x61: {  	_ =	shalt  }
0x62: {  	_ =	shalt  }
0x63: {  	_ =	shalt  }
0x64: {  	_ =	shalt  }
0x65: {  	_ =	shalt  }
0x66: {  	_ =	shalt  }
0x67: {  	_ =	shalt  }
0x68: {  	_ =	shalt  }
0x69: {  	_ =	shalt  }
0x6a: {  	_ =	shalt  }
0x6b: {  	_ =	shalt  }
0x6c: {  	_ =	shalt  }
0x6d: {  	_ =	shalt  }
0x6e: {  	_ =	shalt  }
0x6f: {  	_ =	shalt  }
0x70: {  	_ =	shalt  }
0x71: {  	_ =	shalt  }
0x72: {  	_ =	shalt  }
0x73: {  	_ =	shalt  }
0x74: {  	_ =	shalt  }
0x75: {  	_ =	shalt  }
0x76: {  	_ =	shalt  }
0x77: {  	_ =	shalt  }
0x78: {  	_ =	shalt  }
0x79: {  	_ =	shalt  }
0x7a: {  	_ =	shalt  }
0x7b: {  	_ =	shalt  }
0x7c: {  	_ =	shalt  }
0x7d: {  	_ =	shalt  }
0x7e: {  	_ =	shalt  }
0x7f: {  	_ =	shalt  }
0x80: {  	_ =	shalt  }
0x81: {  	_ =	shalt  }
0x82: {  	_ =	shalt  }
0x83: {  	_ =	shalt  }
0x84: {  	_ =	shalt  }
0x85: {  	_ =	shalt  }
0x86: {  	_ =	shalt  }
0x87: {  	_ =	shalt  }
.Lfunc_end0:
.L_simem_size_0:
called_computation_lowered:
.L_overlay_start_0:
0x88: {  	s2 =	sld [smem:$0x3FD9]  }
0x89: {  	s3 =	sld [smem:$0x3FFE];
	_ =	sdelay $0x1  }
0x8a: {  	s1 =	srdreg.scid  }
0x8b: {  	s0 =	sand.u32 $0x1, s1  }
0x8c: {  	s17 =	sshll.u32 s0, $0xA;
	s2 =	sadd.s32 s3, s2  }
0x8d: {  	s2 =	sadd.s32 s2, s17  }
0x8e: {  	[smem:$0x3FB7] =	sst s2  }
0x8f: {  	_ = 	snop  }
0x90: {  	s2 =	sld [smem:$0x3FD0];
	(tm) =	ssettm $0x1  }
0x91: {  	s18 =	sld [smem:$0x3FFB];
	_ =	sdelay $0x3  }
0x92: {  	_ =	strace s18  }
0x93: {  	s3 =	sld [smem:$0x3FFC];
	_ =	sdelay $0x3  }
0x94: {  	_ =	strace s3  }
0x95: {  	s3 =	sld [smem:$0x3FFD];
	_ =	sdelay $0x3  }
0x96: {  	_ =	strace s3  }
0x97: {  	_ =	strace $0x8FFFFFFF  }
0x98: {  	s19 =	sld [smem:$0x3FDB];
	_ =	sdelay $0x1  }
0x99: {  	s4 =	simm.s32 $_scs_section_size  }
0x9a: {  	s5 =	simm.s32 $_size__tile_overlayer_lowered;
	s6 =	simm.s32 $_tile_overlayer_lowered  }
0x9b: {  	s22 =	simm.s32 $0x1BFF;
	s21 =	sshll.u32 s6, $0x1;
	s3 =	sadd.s32 s4, s19  }
0x9c: {  	s7 =	simm.s32 $0x0;
	s20 =	sshll.u32 s5, $0x1;
	s5 =	sadd.s32 s21, s3  }
0x9d: {  	[timem:s7], [sflag:s22] =	dma.local [hbm:s5], s20  }
0x9e: {  	_ =	swait.ge [sflag:s22], s20  }
0x9f: {  	s4 =	ssub.s32 $0x0, s20;
	[sflag:s22] =	ssyncset.done $0x0  }
0xa0: {  	[sflag:s22] =	ssyncadd.s32 s4;
	_ =	sdelay $0x1  }
0xa1: {  	s23 =	simm.s32 $0x1B8B  }
0xa2: {  	_ =	swait.ge [sflag:s23], $0x1  }
0xa3: {  	[sflag:s23] =	ssyncset.done $0x0  }
0xa4: {  	s25 =	simm.s32 $0x1B8E;
	s24 =	sld [smem:$0x3FFE];
	[sflag:s23] =	ssyncadd.s32 $0xFFFFFFFF  }
0xa5: {  	s26 =	simm.s32 $execute0_lowered;
	[smem:$0x3FD2] =	sst s25  }
0xa6: {  	s5 =	sshll.u32 s26, $0x1;
	_ =	strace $0x80000046;
	[dreg:$0x1] =	wrdreg $0xFFFFFFFF  }
0xa7: {  	s28 =	simm.s32 $_size_execute0_lowered;
	s3 =	sadd.s32 s3, s5;
	[dreg:$0x0] =	wrdreg $0x0  }
0xa8: {  	s5 =	sshll.u32 s28, $0x1;
	[dreg:$0x2] =	wrdreg s3  }
0xa9: {  	[dreg:$0x3] =	wrdreg s5  }
0xaa: {  	[dreg:$0x4] =	wrdreg $0xC0  }
0xab: {  	_ =	task [dreg:s7], $0x5FFFF  }
0xac: {  	[dreg:$0x1] =	wrdreg $0xFFFFFFFF  }
0xad: {  	[dreg:$0x0] =	wrdreg $0x60  }
0xae: {  	[dreg:$0x2] =	wrdreg s2  }
0xaf: {  	[dreg:$0x3] =	wrdreg s24  }
0xb0: {  	[dreg:$0x4] =	wrdreg $0x9  }
0xb1: {  	_ =	task.clear_ibuf [dreg:s7], $0x5FFFF;
	_ =	strace $0x90000046  }
0xb2: {  	s29 =	simm.s32 $0x9;
	_ =	strace $0x80000048  }
0xb3: {  	_ =	swait.ge [sflag:s29], $0x1  }
0xb4: {  	[sflag:s29] =	ssyncadd.s32 $0xFFFFFFFF  }
0xb5: {  	_ =	strace $0x90000048  }
0xb6: {  	_ =	sfence  }
0xb7: {  	s30 =	sld [smem:$0x0];
	_ =	sdelay $0x2  }
0xb8: {  	s31 =	sshll.u32 s1, $0xD;
	s1 =	sshrl.u32 s1, $0x2  }
0xb9: {  	s3 =	sand.u32 $0x4000, s31;
	s1 =	sadd.s32 s1, s30  }
0xba: {  	s0 =	sor.u32 s3, s0;
	s1 =	sshll.u32 s1, $0x11  }
0xbb: {  	s0 =	sor.u32 s1, s0  }
0xbc: {  	s0 =	sadd.s32 $0x8F2B, s0  }
0xbd: {  	[sflag:s0] =	ssyncadd.remote.s32 $0x1  }
0xbe: {  	_ =	sfence.sel $0xFFFF  }
0xbf: {  	[dreg:$0x0] =	wrdreg $0xFFFFFFFF;
	(pc) =	sbr.abs _section_cstart, $3  }
0xc0: {  	[dreg:$0x1] =	wrdreg $0xFFFFFFFF  }
0xc1: {  	_ =	task.clear_ibuf [dreg:s7], $0x2FFFF;
	_ =	strace $0x9FFFFFFF  }
0xc2: {  	(tm) =	ssettm $0x7FFFFFFF  }
0xc3: {  	_ =	shalt  }
tec
execute0_lowered:
.L_overlay_start_1:
0x0: {  	(tag) =	ssettag $0x1  }
0x1: {  	v0 =	vlaneseq.u32  }
0x2: {  	v1 =	vimm.f32 $0.0e+00;
	v4 =	vimm.s32 $0x2380;
	vm0 =	vcmask $0x300  }
0x3: {  	v5 =	vimm.s32 $0x6380;
	vm1 =	vcmask $0x704;
	vm15 =	vcmask $0xB08  }
0x4: {  	s4 =	rddreg [dreg:$0x0];
	vm4 =	vcmask $0xF0C;
	v4 =	vsel vm0, $0x0, v4;
	v5 =	vsel vm0, $0x4000, v5  }
0x5: {  	s5 =	rddreg [dreg:$0x1];
	vm5 =	vcmask $0x1310;
	v4 =	vsel vm1, $0x80, v4;
	v5 =	vsel vm1, $0x4080, v5  }
0x6: {  	s0 =	rddreg [dreg:$0x2];
	vm6 =	vcmask $0x1714;
	v4 =	vsel vm15, $0x100, v4;
	v5 =	vsel vm15, $0x4100, v5  }
0x7: {  	s3 =	srdreg.scid;
	s2 =	simm.s32 $0x0;
	s1 =	stileid.u32;
	vm7 =	vcmask $0x1B18;
	v4 =	vsel vm4, $0x180, v4;
	v5 =	vsel vm4, $0x4180, v5  }
0x8: {  	vm8 =	vcmask $0x1F1C;
	s13 =	simm.s32 $0x1;
	s14 =	simm.s32 $0x1000;
	s15 =	simm.s32 $0x2000;
	v4 =	vsel vm5, $0x200, v4;
	v5 =	vsel vm5, $0x4200, v5  }
0x9: {  	vm9 =	vcmask $0x2320;
	s16 =	simm.s32 $0x3000;
	s17 =	simm.s32 $0x4000;
	s18 =	simm.s32 $0x4080;
	v4 =	vsel vm6, $0x280, v4;
	v5 =	vsel vm6, $0x4280, v5  }
0xa: {  	vm10 =	vcmask $0x2724;
	s19 =	simm.s32 $0x5080;
	s20 =	simm.s32 $0x6080;
	s21 =	simm.s32 $0x7080;
	v4 =	vsel vm7, $0x300, v4;
	v5 =	vsel vm7, $0x4300, v5  }
0xb: {  	vm11 =	vcmask $0x2B28;
	s22 =	simm.s32 $0x0;
	s6 =	sand.u32 $0x1, s3;
	[smem:$0x7FF] =	sst s2;
	v4 =	vsel vm8, $0x380, v4;
	v5 =	vsel vm8, $0x4380, v5  }
0xc: {  	vm12 =	vcmask $0x2F2C;
	s31 =	sshll.u32 s1, $0x6;
	s3 =	sadd.s32 $0xFC00, s5;
	s7 =	sshll.u32 s6, $0x5;
	v4 =	vsel vm9, $0x2000, v4;
	v5 =	vsel vm9, $0x6000, v5  }
0xd: {  	vm13 =	vcmask $0x3330;
	_ =	strace $0x80000047;
	s6 =	ssub.s32 $0x2, s6;
	s7 =	sor.u32 s7, s31;
	v4 =	vsel vm10, $0x2080, v4;
	v5 =	vsel vm10, $0x6080, v5  }
0xe: {  	vm14 =	vcmask $0x3734;
	s9 =	sshrl.u32 s6, $0x1;
	s8 =	sshll.u32 s7, $0x4;
	s7 =	sshll.u32 s7, $0x7;
	v4 =	vsel vm11, $0x2100, v4;
	v5 =	vsel vm11, $0x6100, v5  }
0xf: {  	v2 =	vor.u32 $0xFFFFFFA0, v0;
	s12 =	ssub.s32 s6, s9;
	s10 =	sadd.s32 s8, s5;
	s11 =	sadd.s32 s7, s5;
	v4 =	vsel vm12, $0x2180, v4;
	v5 =	vsel vm12, $0x6180, v5  }
0x10: {  	v3 =	vmul.u32 $0x80, v0;
	s4 =	sadd.s32 s4, s8;
	s12 =	smax.u32 s12, $0x1;
	s5 =	sadd.s32 $0x3C00, s10;
	v4 =	vsel vm13, $0x2200, v4;
	v5 =	vsel vm13, $0x6200, v5  }
0x11: {  	vm15 =	vcmask $0x3B38;
	s6 =	sadd.s32 $0x7C00, s10;
	s7 =	sadd.s32 $0xBC00, s10;
	s8 =	sadd.s32 $0x2FE00, s10;
	v4 =	vsel vm14, $0x2280, v4;
	v6 =	vsel vm14, $0x6280, v5  }
0x12: {  	s9 =	sadd.s32 $0x33E00, s10;
	s10 =	sadd.s32 $0x37E00, s10;
	s11 =	sadd.s32 $0xFE00, s11;
	v5 =	vor.u32 $0x800, v3;
	v4 =	vsel vm15, $0x2300, v4;
	v6 =	vsel vm15, $0x6300, v6  }
.LBB2_1:
0x13: {  	[tilespmem:s2], [sflag:$0x1] =	stream.linear.gather [hbm4b:s4+s2], $0x1000, $0x38;
	[tilespmem:$0xF080] =	vst v63  }
0x14: {  	_ =	swait.ge [sflag:s13], $0x1000  }
0x15: {  	[sflag:s13] =	ssyncset.done $0x0  }
0x16: {  	[sflag:s13] =	ssyncadd.s32 $0xFFFFF000  }
0x17: {  	[tilespmem:s14], [sflag:$0x1] =	stream.linear.gather [hbm4b:s5+s2], $0x1000, $0x38;
	[tilespmem:$0xF080] =	vst v63  }
0x18: {  	_ =	swait.ge [sflag:s13], $0x1000  }
0x19: {  	[sflag:s13] =	ssyncset.done $0x0  }
0x1a: {  	[sflag:s13] =	ssyncadd.s32 $0xFFFFF000  }
0x1b: {  	[tilespmem:s15], [sflag:$0x1] =	stream.linear.gather [hbm4b:s6+s2], $0x1000, $0x38;
	[tilespmem:$0xF080] =	vst v63  }
0x1c: {  	_ =	swait.ge [sflag:s13], $0x1000  }
0x1d: {  	[sflag:s13] =	ssyncset.done $0x0  }
0x1e: {  	[sflag:s13] =	ssyncadd.s32 $0xFFFFF000  }
0x1f: {  	[tilespmem:s16], [sflag:$0x1] =	stream.linear.gather [hbm4b:s7+s2], $0x1000, $0x38;
	[tilespmem:$0xF080] =	vst v63  }
0x20: {  	_ =	swait.ge [sflag:s13], $0x1000  }
0x21: {  	[sflag:s13] =	ssyncset.done $0x0  }
0x22: {  	[sflag:s13] =	ssyncadd.s32 $0xFFFFF000  }
0x23: {  	[tilespmem:s17], [sflag:$0x1] =	stream.linear.gather [hbm4b:s3+s2], $0x80, $0x38;
	[tilespmem:$0xF080] =	vst v63  }
0x24: {  	_ =	swait.ge [sflag:s13], $0x80  }
0x25: {  	[sflag:s13] =	ssyncset.done $0x0  }
0x26: {  	[sflag:s13] =	ssyncadd.s32 $0xFFFFFF80  }
0x27: {  	[tilespmem:$0x4080] =	vst v1  }
0x28: {  	[tilespmem:$0x4100] =	vst v1  }
0x29: {  	[tilespmem:$0x4180] =	vst v1  }
0x2a: {  	[tilespmem:$0x4200] =	vst v1  }
0x2b: {  	[tilespmem:$0x4280] =	vst v1  }
0x2c: {  	[tilespmem:$0x4300] =	vst v1  }
0x2d: {  	[tilespmem:$0x4380] =	vst v1  }
0x2e: {  	[tilespmem:$0x4400] =	vst v1  }
0x2f: {  	[tilespmem:$0x4480] =	vst v1  }
0x30: {  	[tilespmem:$0x4500] =	vst v1  }
0x31: {  	[tilespmem:$0x4580] =	vst v1  }
0x32: {  	[tilespmem:$0x4600] =	vst v1  }
0x33: {  	[tilespmem:$0x4680] =	vst v1  }
0x34: {  	[tilespmem:$0x4700] =	vst v1  }
0x35: {  	[tilespmem:$0x4780] =	vst v1  }
0x36: {  	[tilespmem:$0x4800] =	vst v1  }
0x37: {  	[tilespmem:$0x4880] =	vst v1  }
0x38: {  	[tilespmem:$0x4900] =	vst v1  }
0x39: {  	[tilespmem:$0x4980] =	vst v1  }
0x3a: {  	[tilespmem:$0x4A00] =	vst v1  }
0x3b: {  	[tilespmem:$0x4A80] =	vst v1  }
0x3c: {  	[tilespmem:$0x4B00] =	vst v1  }
0x3d: {  	[tilespmem:$0x4B80] =	vst v1  }
0x3e: {  	[tilespmem:$0x4C00] =	vst v1  }
0x3f: {  	[tilespmem:$0x4C80] =	vst v1  }
0x40: {  	[tilespmem:$0x4D00] =	vst v1  }
0x41: {  	[tilespmem:$0x4D80] =	vst v1  }
0x42: {  	[tilespmem:$0x4E00] =	vst v1  }
0x43: {  	[tilespmem:$0x4E80] =	vst v1  }
0x44: {  	[tilespmem:$0x4F00] =	vst v1  }
0x45: {  	[tilespmem:$0x4F80] =	vst v1  }
0x46: {  	[tilespmem:$0x5000] =	vst v1  }
0x47: {  	[tilespmem:$0x5080] =	vst v1  }
0x48: {  	[tilespmem:$0x5100] =	vst v1  }
0x49: {  	[tilespmem:$0x5180] =	vst v1  }
0x4a: {  	[tilespmem:$0x5200] =	vst v1  }
0x4b: {  	[tilespmem:$0x5280] =	vst v1  }
0x4c: {  	[tilespmem:$0x5300] =	vst v1  }
0x4d: {  	[tilespmem:$0x5380] =	vst v1  }
0x4e: {  	[tilespmem:$0x5400] =	vst v1  }
0x4f: {  	[tilespmem:$0x5480] =	vst v1  }
0x50: {  	[tilespmem:$0x5500] =	vst v1  }
0x51: {  	[tilespmem:$0x5580] =	vst v1  }
0x52: {  	[tilespmem:$0x5600] =	vst v1  }
0x53: {  	[tilespmem:$0x5680] =	vst v1  }
0x54: {  	[tilespmem:$0x5700] =	vst v1  }
0x55: {  	[tilespmem:$0x5780] =	vst v1  }
0x56: {  	[tilespmem:$0x5800] =	vst v1  }
0x57: {  	[tilespmem:$0x5880] =	vst v1  }
0x58: {  	[tilespmem:$0x5900] =	vst v1  }
0x59: {  	[tilespmem:$0x5980] =	vst v1  }
0x5a: {  	[tilespmem:$0x5A00] =	vst v1  }
0x5b: {  	[tilespmem:$0x5A80] =	vst v1  }
0x5c: {  	[tilespmem:$0x5B00] =	vst v1  }
0x5d: {  	[tilespmem:$0x5B80] =	vst v1  }
0x5e: {  	[tilespmem:$0x5C00] =	vst v1  }
0x5f: {  	[tilespmem:$0x5C80] =	vst v1  }
0x60: {  	[tilespmem:$0x5D00] =	vst v1  }
0x61: {  	[tilespmem:$0x5D80] =	vst v1  }
0x62: {  	[tilespmem:$0x5E00] =	vst v1  }
0x63: {  	[tilespmem:$0x5E80] =	vst v1  }
0x64: {  	[tilespmem:$0x5F00] =	vst v1  }
0x65: {  	[tilespmem:$0x5F80] =	vst v1  }
0x66: {  	s23 =	simm.s32 $0x0;
	[tilespmem:$0x6000] =	vst v1  }
.LBB2_2:
0x67: {  	p0 =	sne.s32 s23, $0x3E00  }
.Ltmp0:
0x68: {  	s24 =	sshra.s32 s23, $0x2;
	(pc) =	sbr.rel @p0 .LBB2_2-.Ltmp0, $4  }
0x69: {  	[tilespmem:s24+$0x6080] =	vst v1  }
0x6a: {  	[tilespmem:s24+$0x6090] =	vst v1  }
0x6b: {  	[tilespmem:s24+$0x60A0] =	vst v1  }
0x6c: {  	s23 =	sadd.s32 $0x200, s23;
	[tilespmem:s24+$0x60B0] =	vst v1  }
0x6d: {  	s23 =	simm.s32 $0x0;
	s24 =	simm.s32 $0xFFFF8000  }
0x6e: {  	s25 =	simm.s32 $0x0;
	s26 =	simm.s32 $0x0;
	s28 =	simm.s32 $0x0  }
.LBB2_4:
0x6f: {  	s29 =	sadd.s32 $0x8000, s24  }
0x70: {  	s30 =	sand.u32 $0x380, s28;
	s29 =	sand.u32 $0x6000, s29  }
0x71: {  	s29 =	sor.u32 s30, s29  }
0x72: {  	[tilespmem:s29+$0x7080] =	vst v1  }
0x73: {  	[tilespmem:s29+$0x7090] =	vst v1  }
0x74: {  	[tilespmem:s29+$0x70A0] =	vst v1  }
0x75: {  	[tilespmem:s29+$0x70B0] =	vst v1  }
0x76: {  	[tilespmem:s29+$0x70C0] =	vst v1  }
0x77: {  	[tilespmem:s29+$0x70D0] =	vst v1  }
0x78: {  	[tilespmem:s29+$0x70E0] =	vst v1  }
0x79: {  	[tilespmem:s29+$0x70F0] =	vst v1  }
0x7a: {  	[tilespmem:s29+$0x7480] =	vst v1  }
0x7b: {  	[tilespmem:s29+$0x7490] =	vst v1  }
0x7c: {  	[tilespmem:s29+$0x74A0] =	vst v1  }
0x7d: {  	[tilespmem:s29+$0x74B0] =	vst v1  }
0x7e: {  	[tilespmem:s29+$0x74C0] =	vst v1  }
0x7f: {  	[tilespmem:s29+$0x74D0] =	vst v1  }
0x80: {  	[tilespmem:s29+$0x74E0] =	vst v1  }
0x81: {  	[tilespmem:s29+$0x74F0] =	vst v1  }
0x82: {  	[tilespmem:s29+$0x7880] =	vst v1  }
0x83: {  	[tilespmem:s29+$0x7890] =	vst v1  }
0x84: {  	[tilespmem:s29+$0x78A0] =	vst v1  }
0x85: {  	[tilespmem:s29+$0x78B0] =	vst v1  }
0x86: {  	[tilespmem:s29+$0x78C0] =	vst v1  }
0x87: {  	[tilespmem:s29+$0x78D0] =	vst v1  }
0x88: {  	[tilespmem:s29+$0x78E0] =	vst v1  }
0x89: {  	[tilespmem:s29+$0x78F0] =	vst v1  }
0x8a: {  	[tilespmem:s29+$0x7C80] =	vst v1  }
0x8b: {  	[tilespmem:s29+$0x7C90] =	vst v1  }
0x8c: {  	[tilespmem:s29+$0x7CA0] =	vst v1  }
0x8d: {  	[tilespmem:s29+$0x7CB0] =	vst v1  }
0x8e: {  	[tilespmem:s29+$0x7CC0] =	vst v1  }
0x8f: {  	[tilespmem:s29+$0x7CD0] =	vst v1  }
0x90: {  	[tilespmem:s29+$0x7CE0] =	vst v1  }
0x91: {  	[tilespmem:s29+$0x7CF0] =	vst v1  }
0x92: {  	[tilespmem:s29+$0x8080] =	vst v1  }
0x93: {  	[tilespmem:s29+$0x8090] =	vst v1  }
0x94: {  	[tilespmem:s29+$0x80A0] =	vst v1  }
0x95: {  	[tilespmem:s29+$0x80B0] =	vst v1  }
0x96: {  	[tilespmem:s29+$0x80C0] =	vst v1  }
0x97: {  	[tilespmem:s29+$0x80D0] =	vst v1  }
0x98: {  	[tilespmem:s29+$0x80E0] =	vst v1  }
0x99: {  	[tilespmem:s29+$0x80F0] =	vst v1  }
0x9a: {  	[tilespmem:s29+$0x8480] =	vst v1  }
0x9b: {  	[tilespmem:s29+$0x8490] =	vst v1  }
0x9c: {  	[tilespmem:s29+$0x84A0] =	vst v1  }
0x9d: {  	[tilespmem:s29+$0x84B0] =	vst v1  }
0x9e: {  	[tilespmem:s29+$0x84C0] =	vst v1  }
0x9f: {  	[tilespmem:s29+$0x84D0] =	vst v1  }
0xa0: {  	[tilespmem:s29+$0x84E0] =	vst v1  }
0xa1: {  	[tilespmem:s29+$0x84F0] =	vst v1  }
0xa2: {  	[tilespmem:s29+$0x8880] =	vst v1  }
0xa3: {  	[tilespmem:s29+$0x8890] =	vst v1  }
0xa4: {  	[tilespmem:s29+$0x88A0] =	vst v1  }
0xa5: {  	[tilespmem:s29+$0x88B0] =	vst v1  }
0xa6: {  	s31 =	sand.u32 $0x7, s25;
	[tilespmem:s29+$0x88C0] =	vst v1  }
0xa7: {  	s30 =	sshll.u32 s31, $0x7;
	[tilespmem:s29+$0x88D0] =	vst v1  }
0xa8: {  	s30 =	sadd.s32 s30, s26;
	[tilespmem:s29+$0x88E0] =	vst v1  }
0xa9: {  	[tilespmem:s29+$0x88F0] =	vst v1;
	s31 =	sor.u32 $0x1C00, s30  }
0xaa: {  	[tilespmem:s31+$0x7080] =	vst v1;
	s31 =	sor.u32 $0x1C10, s30  }
0xab: {  	[tilespmem:s31+$0x7080] =	vst v1;
	s31 =	sor.u32 $0x1C20, s30  }
0xac: {  	p0 =	sne.s32 s28, $0xF80;
	[tilespmem:s31+$0x7080] =	vst v1;
	s31 =	sor.u32 $0x1C30, s30  }
.Ltmp1:
0xad: {  	[tilespmem:s31+$0x7080] =	vst v1;
	s31 =	sor.u32 $0x1C40, s30;
	(pc) =	sbr.rel @p0 .LBB2_4-.Ltmp1, $4  }
0xae: {  	[tilespmem:s31+$0x7080] =	vst v1;
	s31 =	sor.u32 $0x1C50, s30  }
0xaf: {  	[tilespmem:s31+$0x7080] =	vst v1;
	s31 =	sor.u32 $0x1C60, s30  }
0xb0: {  	s25 =	sadd.s32 $0x1, s25;
	[tilespmem:s31+$0x7080] =	vst v1;
	s31 =	sor.u32 $0x1C70, s30  }
0xb1: {  	s24 =	sadd.s32 $0x400, s24;
	s28 =	sadd.s32 $0x80, s28;
	s26 =	sadd.s32 $0x400, s26;
	[tilespmem:s31+$0x7080] =	vst v1  }
0xb2: {  	s24 =	simm.s32 $0x4001  }
.LBB2_6:
0xb3: {  	v7 =	vadd.s32 s23, v0  }
0xb4: {  	v8 =	vadd.s32 s23, v2;
	vm0 =	vgt.u32 v7, $0x5F  }
0xb5: {  	v7 =	vsel vm0, v8, v7  }
0xb6: {  	v8 =	vadd.s32 v3, v7;
	_ =	sdelay $0x4  }
0xb7: {  	v9 =	vld.idx.msk [tilespmem:v8+s2+$0x0], $0xffff;
	_ =	sdelay $0x4  }
0xb8: {  	v10 =	vld [tilespmem:s24+$0xFFFFFFFF];
	v9 =	vadd.s32 v3, v9;
	_ =	sdelay $0x4  }
0xb9: {  	[tilespmem:v9+s18+$0x0] =	vst.idx.add.f32.msk $0xffff, v10  }
0xba: {  	v9 =	vld.idx.msk [tilespmem:v8+s14+$0x0], $0xffff;
	_ =	sdelay $0x4  }
0xbb: {  	v9 =	vadd.s32 v3, v9;
	_ =	sdelay $0x4  }
0xbc: {  	[tilespmem:v9+s19+$0x0] =	vst.idx.add.f32.msk $0xffff, v10  }
0xbd: {  	v9 =	vld.idx.msk [tilespmem:v8+s15+$0x0], $0xffff;
	_ =	sdelay $0x4  }
0xbe: {  	v9 =	vadd.s32 v3, v9;
	_ =	sdelay $0x4  }
0xbf: {  	[tilespmem:v9+s20+$0x0] =	vst.idx.add.f32.msk $0xffff, v10  }
0xc0: {  	v8 =	vld.idx.msk [tilespmem:v8+s16+$0x0], $0xffff;
	_ =	sdelay $0x4  }
0xc1: {  	v62 =	vshll.u32 v8, $0x3  }
0xc2: {  	v8 =	vand.u32 $0x7F, v8;
	v9 =	vand.u32 $0xFFFFFC00, v62  }
0xc3: {  	v8 =	vor.u32 v8, v9  }
0xc4: {  	v8 =	vadd.s32 v4, v8  }
0xc5: {  	v7 =	vadd.s32 v5, v7;
	_ =	sdelay $0x3  }
0xc6: {  	[tilespmem:v8+s21+$0x0] =	vst.idx.add.f32.msk $0xffff, v10  }
0xc7: {  	v8 =	vld.idx.msk [tilespmem:v7+s2+$0x0], $0xffff;
	_ =	sdelay $0x4  }
0xc8: {  	v8 =	vadd.s32 v5, v8;
	_ =	sdelay $0x4  }
0xc9: {  	[tilespmem:v8+s18+$0x0] =	vst.idx.add.f32.msk $0xffff, v10  }
0xca: {  	v8 =	vld.idx.msk [tilespmem:v7+s14+$0x0], $0xffff;
	_ =	sdelay $0x4  }
0xcb: {  	v8 =	vadd.s32 v5, v8;
	_ =	sdelay $0x4  }
0xcc: {  	[tilespmem:v8+s19+$0x0] =	vst.idx.add.f32.msk $0xffff, v10  }
0xcd: {  	v8 =	vld.idx.msk [tilespmem:v7+s15+$0x0], $0xffff;
	_ =	sdelay $0x4  }
0xce: {  	v8 =	vadd.s32 v5, v8;
	_ =	sdelay $0x4  }
0xcf: {  	[tilespmem:v8+s20+$0x0] =	vst.idx.add.f32.msk $0xffff, v10  }
0xd0: {  	v7 =	vld.idx.msk [tilespmem:v7+s16+$0x0], $0xffff;
	_ =	sdelay $0x4  }
0xd1: {  	s25 =	sadd.s32 $0x1, s23;
	v8 =	vshll.u32 v7, $0x3  }
0xd2: {  	v63 =	vadd.s32 s25, v0;
	v7 =	vand.u32 $0x7F, v7;
	v8 =	vand.u32 $0xFFFFFC00, v8  }
0xd3: {  	vm15 =	vgt.u32 v63, $0x5F;
	v7 =	vor.u32 v7, v8;
	v8 =	vadd.s32 s25, v2  }
0xd4: {  	v8 =	vsel vm15, v8, v63;
	v7 =	vadd.s32 v6, v7  }
0xd5: {  	v9 =	vadd.s32 v3, v8;
	_ =	sdelay $0x3  }
0xd6: {  	[tilespmem:v7+s21+$0x0] =	vst.idx.add.f32.msk $0xffff, v10  }
0xd7: {  	v7 =	vld.idx.msk [tilespmem:v9+s2+$0x0], $0xffff;
	_ =	sdelay $0x4  }
0xd8: {  	v10 =	vld [tilespmem:s24+$0x0];
	v7 =	vadd.s32 v3, v7;
	_ =	sdelay $0x4  }
0xd9: {  	[tilespmem:v7+s18+$0x0] =	vst.idx.add.f32.msk $0xffff, v10  }
0xda: {  	v7 =	vld.idx.msk [tilespmem:v9+s14+$0x0], $0xffff;
	_ =	sdelay $0x4  }
0xdb: {  	v7 =	vadd.s32 v3, v7;
	_ =	sdelay $0x4  }
0xdc: {  	[tilespmem:v7+s19+$0x0] =	vst.idx.add.f32.msk $0xffff, v10  }
0xdd: {  	v7 =	vld.idx.msk [tilespmem:v9+s15+$0x0], $0xffff;
	_ =	sdelay $0x4  }
0xde: {  	v7 =	vadd.s32 v3, v7;
	_ =	sdelay $0x4  }
0xdf: {  	[tilespmem:v7+s20+$0x0] =	vst.idx.add.f32.msk $0xffff, v10  }
0xe0: {  	v7 =	vld.idx.msk [tilespmem:v9+s16+$0x0], $0xffff;
	_ =	sdelay $0x4  }
0xe1: {  	v9 =	vshll.u32 v7, $0x3  }
0xe2: {  	v7 =	vand.u32 $0x7F, v7;
	v9 =	vand.u32 $0xFFFFFC00, v9  }
0xe3: {  	v7 =	vor.u32 v7, v9  }
0xe4: {  	v7 =	vadd.s32 v4, v7  }
0xe5: {  	v8 =	vadd.s32 v5, v8;
	_ =	sdelay $0x3  }
0xe6: {  	[tilespmem:v7+s21+$0x0] =	vst.idx.add.f32.msk $0xffff, v10  }
0xe7: {  	v7 =	vld.idx.msk [tilespmem:v8+s2+$0x0], $0xffff;
	_ =	sdelay $0x4  }
0xe8: {  	v7 =	vadd.s32 v5, v7;
	_ =	sdelay $0x4  }
0xe9: {  	[tilespmem:v7+s18+$0x0] =	vst.idx.add.f32.msk $0xffff, v10  }
0xea: {  	v7 =	vld.idx.msk [tilespmem:v8+s14+$0x0], $0xffff;
	_ =	sdelay $0x4  }
0xeb: {  	v7 =	vadd.s32 v5, v7;
	_ =	sdelay $0x4  }
0xec: {  	[tilespmem:v7+s19+$0x0] =	vst.idx.add.f32.msk $0xffff, v10  }
0xed: {  	v7 =	vld.idx.msk [tilespmem:v8+s15+$0x0], $0xffff;
	_ =	sdelay $0x4  }
0xee: {  	v7 =	vadd.s32 v5, v7;
	_ =	sdelay $0x4  }
0xef: {  	[tilespmem:v7+s20+$0x0] =	vst.idx.add.f32.msk $0xffff, v10  }
0xf0: {  	v7 =	vld.idx.msk [tilespmem:v8+s16+$0x0], $0xffff;
	_ =	sdelay $0x4  }
0xf1: {  	v8 =	vshll.u32 v7, $0x3  }
0xf2: {  	v7 =	vand.u32 $0x7F, v7;
	v8 =	vand.u32 $0xFFFFFC00, v8  }
0xf3: {  	v7 =	vor.u32 v7, v8  }
0xf4: {  	p0 =	slt.u32 s23, $0x5E;
	v7 =	vadd.s32 v6, v7  }
.Ltmp2:
0xf5: {  	_ = 	snop;
	(pc) =	sbr.rel @p0 .LBB2_6-.Ltmp2, $2  }
0xf6: {  	_ =	sdelay $0x2  }
0xf7: {  	s23 =	sadd.s32 $0x2, s23;
	s24 =	sadd.s32 $0x2, s24;
	[tilespmem:v7+s21+$0x0] =	vst.idx.add.f32.msk $0xffff, v10  }
0xf8: {  	[hbm4b:s8+s2] =	stream.linear.scatter [tilespmem:s18], [sflag:$0x1], $0x1000, $0x38;
	[tilespmem:$0xF080] =	vst v63  }
0xf9: {  	_ =	swait.ge [sflag:s13], $0x1000  }
0xfa: {  	[sflag:s13] =	ssyncset.done $0x0  }
0xfb: {  	[sflag:s13] =	ssyncadd.s32 $0xFFFFF000  }
0xfc: {  	[hbm4b:s9+s2] =	stream.linear.scatter [tilespmem:s19], [sflag:$0x1], $0x1000, $0x38;
	[tilespmem:$0xF080] =	vst v63  }
0xfd: {  	_ =	swait.ge [sflag:s13], $0x1000  }
0xfe: {  	[sflag:s13] =	ssyncset.done $0x0  }
0xff: {  	[sflag:s13] =	ssyncadd.s32 $0xFFFFF000  }
0x100: {  	[hbm4b:s10+s2] =	stream.linear.scatter [tilespmem:s20], [sflag:$0x1], $0x1000, $0x38;
	[tilespmem:$0xF080] =	vst v63  }
0x101: {  	s22 =	sadd.s32 $0x1, s22;
	_ =	swait.ge [sflag:s13], $0x1000  }
0x102: {  	p0 =	sne.s32 s22, s12;
	[sflag:s13] =	ssyncset.done $0x0  }
.Ltmp3:
0x103: {  	[sflag:s13] =	ssyncadd.s32 $0xFFFFF000;
	(pc) =	sbr.rel @p0 .LBB2_1-.Ltmp3, $4  }
0x104: {  	[hbm4b:s11+s2] =	stream.linear.scatter [tilespmem:s21], [sflag:$0x1], $0x8000, $0x38;
	[tilespmem:$0xF080] =	vst v63  }
0x105: {  	_ =	swait.ge [sflag:s13], $0x8000  }
0x106: {  	[sflag:s13] =	ssyncset.done $0x0  }
0x107: {  	[sflag:s13] =	ssyncadd.s32 $0xFFFF8000  }
0x108: {  	_ =	sfence.sel $0x180000  }
0x109: {  	[bflag:$0x0] =	sbarrier.arrive $0xFFFF  }
0x10a: {  	p0 =	sne.s32 s1, $0x0;
	_ =	strace $0x90000047  }
0x10b: {  	s0 =	sadd.s32 @!p0 $0x100000, s0;
	[bflag:$0x2] =	sbarrier.arrive $0xFFFF  }
0x10c: {  	[sflag:s0] =	ssyncadd.tile.s32 @!p0 $0x1;
	_ =	shalt  }
.Lfunc_end2:
_tile_overlayer_lowered:
.L_overlay_start_2:
0x10d: {  	(tag) =	ssettag $0x2  }
0x10e: {  	s0 =	rddreg [dreg:$0x0];
	s2 =	stileid.u32  }
0x10f: {  	s1 =	rddreg [dreg:$0x1];
	p0 =	sne.s32 s2, $0x0  }
0x110: {  	s3 =	rddreg [dreg:$0x2];
	[bflag:$0x3] =	sbarrier.arrive $0xFFFF;
	s2 =	simm.s32 @!p0 $0x1C01  }
0x111: {  	[timem:s3], [sflag:s2] =	dma.local @!p0 [hbm:s0], s1  }
0x112: {  	s0 =	simm.s32 @!p0 $0x1  }
0x113: {  	_ =	swait.ge @!p0 [sflag:s0], s1  }
0x114: {  	s1 =	ssub.s32 @!p0 $0x0, s1;
	[sflag:s0] =	ssyncset.done @!p0 $0x0  }
0x115: {  	[sflag:s0] =	ssyncadd.s32 @!p0 s1  }
0x116: {  	[bflag:$0x3] =	sbarrier.arrive $0xFFFF  }
0x117: {  	_ =	shalt  }

</sc_bundles>
